<compile_context>
chip_gen: v7x
topology: tpu7x:2x2x1
jax: 0.10.2.dev20260603
libtpu: 0.0.44.dev20260713+nightly
codegen_flags: <defaults>
</compile_context>

<pallas_src>
import functools

import jax
import jax.numpy as jnp
from jax import lax
from jax.experimental import pallas as pl
from jax.experimental.pallas import tpu as pltpu
from jax.experimental.pallas import tpu_sc as plsc

N_NODES = 10000
N_EDGES = 160000
D = 256
DH = 128
NC = 2
NS = 16
CB = 128
NCH = 80
E_PAD = NS * NCH * CB
NP = 10240
RPT = NP // NS

_mesh = plsc.VectorSubcoreMesh(core_axis_name="c", subcore_axis_name="s")


@functools.partial(
    pl.kernel,
    out_type=jax.ShapeDtypeStruct((NC, NP, DH), jnp.float32),
    mesh=_mesh,
    scratch_types=[
        pltpu.VMEM((NCH // 2, CB), jnp.int32),
        pltpu.VMEM((NCH // 2, CB), jnp.int32),
        pltpu.VMEM((CB, DH), jnp.float32),
        pltpu.VMEM((CB, DH), jnp.float32),
        pltpu.VMEM_SHARED((NP, DH), jnp.float32),
        pltpu.SemaphoreType.DMA,
        pltpu.SemaphoreType.DMA,
        pltpu.SemaphoreType.DMA,
    ],
)
def _sc_agg(x_lo, x_hi, src_hbm, tgt_hbm, out,
            src_v, tgt_v, rows0_v, rows1_v, agg_sh, sem0, sem1, zsem):
    c = lax.axis_index("c")
    s = lax.axis_index("s")
    nh = NCH // 2

    pltpu.async_copy(src_hbm.at[s, pl.ds(0, nh)], src_v, sem0)
    pltpu.async_copy(tgt_hbm.at[s, pl.ds(0, nh)], tgt_v, sem1)

    z = jnp.zeros((16,), jnp.float32)

    def zb(i, carry):
        r = i // 8
        k = lax.rem(i, 8)
        rows0_v[r, pl.ds(k * 16, 16)] = z
        return carry

    lax.fori_loop(0, CB * (DH // 16), zb, 0)
    for k in range(RPT // CB):
        pltpu.async_copy(rows0_v, agg_sh.at[pl.ds(s * RPT + k * CB, CB)], zsem)
    for k in range(RPT // CB):
        pltpu.make_async_copy(rows0_v, agg_sh.at[pl.ds(s * RPT + k * CB, CB)],
                              zsem).wait()
    pltpu.make_async_copy(src_hbm.at[s, pl.ds(0, nh)], src_v, sem0).wait()
    pltpu.make_async_copy(tgt_hbm.at[s, pl.ds(0, nh)], tgt_v, sem1).wait()
    plsc.subcore_barrier()

    def fire(j, rows_v, sem):
        @pl.when(c == 0)
        def _():
            pltpu.async_copy(x_lo.at[src_v.at[j]], rows_v, sem)

        @pl.when(c == 1)
        def _():
            pltpu.async_copy(x_hi.at[src_v.at[j]], rows_v, sem)

    def drain(j, rows_v, sem):
        @pl.when(c == 0)
        def _():
            pltpu.make_async_copy(x_lo.at[src_v.at[j]], rows_v, sem).wait()

        @pl.when(c == 1)
        def _():
            pltpu.make_async_copy(x_hi.at[src_v.at[j]], rows_v, sem).wait()

    for h in range(2):
        if h > 0:
            pltpu.sync_copy(src_hbm.at[s, pl.ds(h * nh, nh)], src_v)
            pltpu.sync_copy(tgt_hbm.at[s, pl.ds(h * nh, nh)], tgt_v)
        fire(0, rows0_v, sem0)
        fire(1, rows1_v, sem1)

        def body(i, carry):
            j0 = 2 * i
            for b, (rows_v, sem) in enumerate(((rows0_v, sem0),
                                               (rows1_v, sem1))):
                j = j0 + b
                drain(j, rows_v, sem)
                pltpu.sync_copy(rows_v, agg_sh.at[tgt_v.at[j]], add=True)

                @pl.when(j + 2 < nh)
                def _():
                    fire(j + 2, rows_v, sem)
            return carry

        lax.fori_loop(0, nh // 2, body, 0)
    plsc.subcore_barrier()

    pltpu.sync_copy(agg_sh.at[pl.ds(s * RPT, RPT)],
                    out.at[c, pl.ds(s * RPT, RPT)])


def _mlp_body(eps_ref, x_ref, agg_ref, w1_ref, b1_ref, w2_ref, b2_ref, o_ref):
    eps = eps_ref[0, 0]
    agg = jnp.concatenate([agg_ref[0], agg_ref[1]], axis=1)
    h = (1.0 + eps) * x_ref[...] + agg
    h = jnp.dot(h.astype(jnp.bfloat16), w1_ref[...].astype(jnp.bfloat16),
                preferred_element_type=jnp.float32) + b1_ref[...]
    h = jnp.maximum(h, 0.0)
    o_ref[...] = jnp.dot(h.astype(jnp.bfloat16), w2_ref[...].astype(jnp.bfloat16),
                         preferred_element_type=jnp.float32) + b2_ref[...]


_ROWS_BLK = 400
_N_BLKS = N_NODES // _ROWS_BLK

_mlp = pl.pallas_call(
    _mlp_body,
    grid=(_N_BLKS,),
    in_specs=[
        pl.BlockSpec((1, 1), lambda i: (0, 0), memory_space=pltpu.SMEM),
        pl.BlockSpec((_ROWS_BLK, D), lambda i: (i, 0)),
        pl.BlockSpec((NC, _ROWS_BLK, DH), lambda i: (0, i, 0)),
        pl.BlockSpec((D, D), lambda i: (0, 0)),
        pl.BlockSpec((1, D), lambda i: (0, 0)),
        pl.BlockSpec((D, D), lambda i: (0, 0)),
        pl.BlockSpec((1, D), lambda i: (0, 0)),
    ],
    out_specs=pl.BlockSpec((_ROWS_BLK, D), lambda i: (i, 0)),
    out_shape=jax.ShapeDtypeStruct((N_NODES, D), jnp.float32),
)


def kernel(x, edge_index, eps, W1, b1, W2, b2):
    src = edge_index[0]
    tgt = edge_index[1]
    pad = E_PAD - N_EDGES
    pad_src = jnp.arange(pad, dtype=jnp.int32) % N_NODES
    pad_tgt = N_NODES + jnp.arange(pad, dtype=jnp.int32) % (NP - N_NODES)
    src_r = jnp.concatenate([src, pad_src]).reshape(NS, NCH, CB)
    tgt_r = jnp.concatenate([tgt, pad_tgt]).reshape(NS, NCH, CB)
    x_lo = x[:, :DH]
    x_hi = x[:, DH:]

    agg2 = _sc_agg(x_lo, x_hi, src_r, tgt_r)

    eps2 = jnp.reshape(eps, (1, 1))
    b1r = jnp.reshape(b1, (1, D))
    b2r = jnp.reshape(b2, (1, D))
    return _mlp(eps2, x, agg2, W1, b1r, W2, b2r)

# --- scband reference (transcript-rebuilt; emitter-appended) ---
"""Pipeline reference for scband-ginlayer-15685220565558 (READ-ONLY COPY).

The authoritative reference and input builder live on the scoring server;
editing this copy changes nothing except your own understanding.
"""

import jax, jax.numpy as jnp
import numpy as np

N_NODES = 10000
N_EDGES = 160000
D_IN = 256
D_HID = 256
D_OUT = 256


def setup_inputs(seed: int = 0) -> dict:
    key = jax.random.key(seed)
    ks = jax.random.split(key, 6)
    x = jax.random.normal(ks[0], (N_NODES, D_IN), dtype=jnp.float32)
    edge_index = jax.random.randint(ks[1], (2, N_EDGES), 0, N_NODES, dtype=jnp.int32)
    # MLP parameters (Linear(D_IN, D_HID) -> ReLU -> Linear(D_HID, D_OUT))
    W1 = jax.random.normal(ks[2], (D_IN, D_HID), dtype=jnp.float32) * (1.0 / np.sqrt(D_IN))
    b1 = jnp.zeros((D_HID,), dtype=jnp.float32)
    W2 = jax.random.normal(ks[3], (D_HID, D_OUT), dtype=jnp.float32) * (1.0 / np.sqrt(D_HID))
    b2 = jnp.zeros((D_OUT,), dtype=jnp.float32)
    eps = jnp.array(0.0, dtype=jnp.float32)  # learnable eps parameter
    return {"x": x, "edge_index": edge_index, "eps": eps, "W1": W1, "b1": b1, "W2": W2, "b2": b2}


def reference(x, edge_index, eps, W1, b1, W2, b2):
    src = edge_index[0]
    tgt = edge_index[1]
    # scatter-add aggregation: aggregated[tgt] += x[src]
    gathered = jnp.take(x, src, axis=0)
    aggregated = jnp.zeros_like(x).at[tgt].add(gathered)
    h = (1.0 + eps) * x + aggregated
    h = jnp.maximum(h @ W1 + b1, 0.0)
    out = h @ W2 + b2
    return out

if __name__ == "__main__":
    import jax
    _d = setup_inputs()
    print(jax.jit(kernel)(*tuple(_d.values())))

</pallas_src>

<mosaic_0001>
#map = affine_map<(d0, d1) -> (0, 0)>
#map1 = affine_map<(d0, d1) -> (0, 0, 0)>
module attributes {stable_mosaic.version = 14 : i64} {
  func.func @_sc_agg(%arg0: i32, %arg1: i32, %arg2: memref<10000x128xf32, #tpu.memory_space<hbm>>, %arg3: memref<10000x128xf32, #tpu.memory_space<hbm>>, %arg4: memref<16x80x128xi32, #tpu.memory_space<hbm>>, %arg5: memref<16x80x128xi32, #tpu.memory_space<hbm>>, %arg6: memref<2x10240x128xf32, #tpu.memory_space<hbm>>, %arg7: memref<40x128xi32, #tpu.memory_space<vmem>>, %arg8: memref<40x128xi32, #tpu.memory_space<vmem>>, %arg9: memref<128x128xf32, #tpu.memory_space<vmem>>, %arg10: memref<128x128xf32, #tpu.memory_space<vmem>>, %arg11: memref<10240x128xf32, #tpu.memory_space<vmem_shared>>, %arg12: memref<!tpu.dma_semaphore, #tpu.memory_space<semaphore_mem>>, %arg13: memref<!tpu.dma_semaphore, #tpu.memory_space<semaphore_mem>>, %arg14: memref<!tpu.dma_semaphore, #tpu.memory_space<semaphore_mem>>) attributes {dimension_semantics = [#tpu.dimension_semantics<core_parallel>, #tpu.dimension_semantics<subcore_parallel>], iteration_bounds = array<i64: 2, 16>, scalar_prefetch = 0 : i64, scratch_operands = 8 : i64, tpu.core_type = #tpu.core_type<sc_vector_subcore>, window_params = [{transform_indices = #map}, {transform_indices = #map}, {transform_indices = #map1}, {transform_indices = #map1}, {transform_indices = #map1}]} {
    %dma_start3A = arith.constant 0 : i32
    %dma_start3A_0 = arith.constant 0 : i32
    %dma_start3A_1 = tpu.memref_slice %arg4[%arg1, %dma_start3A, %dma_start3A_0] : memref<16x80x128xi32, #tpu.memory_space<hbm>> -> memref<1x40x128xi32, #tpu.memory_space<hbm>>
    %dma_start3A_2 = tpu.memref_squeeze %dma_start3A_1 : memref<1x40x128xi32, #tpu.memory_space<hbm>> -> memref<40x128xi32, #tpu.memory_space<hbm>>
    %dma_start3A_3 = arith.constant 0 : i32
    %dma_start3A_4 = arith.constant 0 : i32
    %dma_start3A_5 = tpu.memref_slice %arg4[%arg1, %dma_start3A_3, %dma_start3A_4] : memref<16x80x128xi32, #tpu.memory_space<hbm>> -> memref<1x40x128xi32, #tpu.memory_space<hbm>>
    %dma_start3A_6 = tpu.memref_squeeze %dma_start3A_5 : memref<1x40x128xi32, #tpu.memory_space<hbm>> -> memref<40x128xi32, #tpu.memory_space<hbm>>
    tpu.enqueue_dma source(%dma_start3A_6 : memref<40x128xi32, #tpu.memory_space<hbm>>) target(%arg7 : memref<40x128xi32, #tpu.memory_space<vmem>>) target_semaphore(%arg12 : memref<!tpu.dma_semaphore, #tpu.memory_space<semaphore_mem>>)
    %dma_start3A_7 = arith.constant 0 : i32
    %dma_start3A_8 = arith.constant 0 : i32
    %dma_start3A_9 = tpu.memref_slice %arg5[%arg1, %dma_start3A_7, %dma_start3A_8] : memref<16x80x128xi32, #tpu.memory_space<hbm>> -> memref<1x40x128xi32, #tpu.memory_space<hbm>>
    %dma_start3A_10 = tpu.memref_squeeze %dma_start3A_9 : memref<1x40x128xi32, #tpu.memory_space<hbm>> -> memref<40x128xi32, #tpu.memory_space<hbm>>
    %dma_start3A_11 = arith.constant 0 : i32
    %dma_start3A_12 = arith.constant 0 : i32
    %dma_start3A_13 = tpu.memref_slice %arg5[%arg1, %dma_start3A_11, %dma_start3A_12] : memref<16x80x128xi32, #tpu.memory_space<hbm>> -> memref<1x40x128xi32, #tpu.memory_space<hbm>>
    %dma_start3A_14 = tpu.memref_squeeze %dma_start3A_13 : memref<1x40x128xi32, #tpu.memory_space<hbm>> -> memref<40x128xi32, #tpu.memory_space<hbm>>
    tpu.enqueue_dma source(%dma_start3A_14 : memref<40x128xi32, #tpu.memory_space<hbm>>) target(%arg8 : memref<40x128xi32, #tpu.memory_space<vmem>>) target_semaphore(%arg13 : memref<!tpu.dma_semaphore, #tpu.memory_space<semaphore_mem>>)
    %broadcast_in_dim3A = arith.constant 0.000000e+00 : f32
    %broadcast_in_dim3A_15 = vector.broadcast %broadcast_in_dim3A : f32 to vector<16xf32>
    %scan3A = arith.constant 0 : i32
    %scan3A_16 = arith.constant 0 : i32
    %scan3A_17 = arith.constant 1024 : i32
    %scan3A_18 = arith.addi %scan3A_16, %scan3A_17 : i32
    %scan3A_19 = arith.constant 1 : i32
    scf.for %scan3A_168 = %scan3A_16 to %scan3A_18 step %scan3A_19  : i32 {
      %jit3A = arith.constant 8 : i32
      %div3A = arith.divsi %scan3A_168, %jit3A : i32
      %sign3A = arith.constant 0 : i32
      %sign3A_169 = arith.cmpi sgt, %scan3A_168, %sign3A : i32
      %sign3A_170 = arith.extui %sign3A_169 : i1 to i32
      %sign3A_171 = arith.constant 0 : i32
      %sign3A_172 = arith.cmpi slt, %scan3A_168, %sign3A_171 : i32
      %sign3A_173 = arith.extui %sign3A_172 : i1 to i32
      %sign3A_174 = arith.subi %sign3A_170, %sign3A_173 : i32
      %sign3A_175 = arith.constant 0 : i32
      %sign3A_176 = arith.cmpi sgt, %jit3A, %sign3A_175 : i32
      %sign3A_177 = arith.extui %sign3A_176 : i1 to i32
      %sign3A_178 = arith.constant 0 : i32
      %sign3A_179 = arith.cmpi slt, %jit3A, %sign3A_178 : i32
      %sign3A_180 = arith.extui %sign3A_179 : i1 to i32
      %sign3A_181 = arith.subi %sign3A_177, %sign3A_180 : i32
      %ne3A = arith.cmpi ne, %sign3A_174, %sign3A_181 : i32
      %rem3A = arith.remsi %scan3A_168, %jit3A : i32
      %ne3A_182 = arith.constant 0 : i32
      %ne3A_183 = arith.cmpi ne, %rem3A, %ne3A_182 : i32
      %and3A = arith.andi %ne3A, %ne3A_183 : i1
      %sub3A = arith.constant 1 : i32
      %sub3A_184 = arith.subi %div3A, %sub3A : i32
      %select_n3A = arith.select %and3A, %sub3A_184, %div3A : i32
      %rem3A_185 = arith.constant 8 : i32
      %rem3A_186 = arith.remsi %scan3A_168, %rem3A_185 : i32
      %mul3A_187 = arith.constant 16 : i32
      %mul3A_188 = arith.muli %rem3A_186, %mul3A_187 : i32
      %swap3A = arith.index_cast %select_n3A : i32 to index
      %swap3A_189 = arith.index_cast %mul3A_188 : i32 to index
      %swap3A_190 = tpu.vector_load %arg9[%swap3A, %swap3A_189] {strides = array<i32>} : memref<128x128xf32, #tpu.memory_space<vmem>>, vector<1x16xf32>,
      %swap3A_191 = vector.shape_cast %swap3A_190 : vector<1x16xf32> to vector<16xf32>
      %swap3A_192 = vector.shape_cast %broadcast_in_dim3A_15 : vector<16xf32> to vector<1x16xf32>
      tpu.vector_store %arg9[%swap3A, %swap3A_189], %swap3A_192 {strides = array<i32>} : memref<128x128xf32, #tpu.memory_space<vmem>>, vector<1x16xf32>,
    }
    %scan3A_20 = arith.constant 1024 : i32
    %mul3A = arith.constant 640 : i32
    %mul3A_21 = arith.muli %arg1, %mul3A : i32
    %add3A = arith.constant 0 : i32
    %add3A_22 = arith.addi %mul3A_21, %add3A : i32
    %dma_start3A_23 = arith.constant 0 : i32
    %dma_start3A_24 = tpu.memref_slice %arg11[%add3A_22, %dma_start3A_23] : memref<10240x128xf32, #tpu.memory_space<vmem_shared>> -> memref<128x128xf32, #tpu.memory_space<vmem_shared>>
    %dma_start3A_25 = arith.constant 0 : i32
    %dma_start3A_26 = tpu.memref_slice %arg11[%add3A_22, %dma_start3A_25] : memref<10240x128xf32, #tpu.memory_space<vmem_shared>> -> memref<128x128xf32, #tpu.memory_space<vmem_shared>>
    tpu.enqueue_dma source(%arg9 : memref<128x128xf32, #tpu.memory_space<vmem>>) target(%dma_start3A_26 : memref<128x128xf32, #tpu.memory_space<vmem_shared>>) target_semaphore(%arg14 : memref<!tpu.dma_semaphore, #tpu.memory_space<semaphore_mem>>)
    %mul3A_27 = arith.constant 640 : i32
    %mul3A_28 = arith.muli %arg1, %mul3A_27 : i32
    %add3A_29 = arith.constant 128 : i32
    %add3A_30 = arith.addi %mul3A_28, %add3A_29 : i32
    %dma_start3A_31 = arith.constant 0 : i32
    %dma_start3A_32 = tpu.memref_slice %arg11[%add3A_30, %dma_start3A_31] : memref<10240x128xf32, #tpu.memory_space<vmem_shared>> -> memref<128x128xf32, #tpu.memory_space<vmem_shared>>
    %dma_start3A_33 = arith.constant 0 : i32
    %dma_start3A_34 = tpu.memref_slice %arg11[%add3A_30, %dma_start3A_33] : memref<10240x128xf32, #tpu.memory_space<vmem_shared>> -> memref<128x128xf32, #tpu.memory_space<vmem_shared>>
    tpu.enqueue_dma source(%arg9 : memref<128x128xf32, #tpu.memory_space<vmem>>) target(%dma_start3A_34 : memref<128x128xf32, #tpu.memory_space<vmem_shared>>) target_semaphore(%arg14 : memref<!tpu.dma_semaphore, #tpu.memory_space<semaphore_mem>>)
    %mul3A_35 = arith.constant 640 : i32
    %mul3A_36 = arith.muli %arg1, %mul3A_35 : i32
    %add3A_37 = arith.constant 256 : i32
    %add3A_38 = arith.addi %mul3A_36, %add3A_37 : i32
    %dma_start3A_39 = arith.constant 0 : i32
    %dma_start3A_40 = tpu.memref_slice %arg11[%add3A_38, %dma_start3A_39] : memref<10240x128xf32, #tpu.memory_space<vmem_shared>> -> memref<128x128xf32, #tpu.memory_space<vmem_shared>>
    %dma_start3A_41 = arith.constant 0 : i32
    %dma_start3A_42 = tpu.memref_slice %arg11[%add3A_38, %dma_start3A_41] : memref<10240x128xf32, #tpu.memory_space<vmem_shared>> -> memref<128x128xf32, #tpu.memory_space<vmem_shared>>
    tpu.enqueue_dma source(%arg9 : memref<128x128xf32, #tpu.memory_space<vmem>>) target(%dma_start3A_42 : memref<128x128xf32, #tpu.memory_space<vmem_shared>>) target_semaphore(%arg14 : memref<!tpu.dma_semaphore, #tpu.memory_space<semaphore_mem>>)
    %mul3A_43 = arith.constant 640 : i32
    %mul3A_44 = arith.muli %arg1, %mul3A_43 : i32
    %add3A_45 = arith.constant 384 : i32
    %add3A_46 = arith.addi %mul3A_44, %add3A_45 : i32
    %dma_start3A_47 = arith.constant 0 : i32
    %dma_start3A_48 = tpu.memref_slice %arg11[%add3A_46, %dma_start3A_47] : memref<10240x128xf32, #tpu.memory_space<vmem_shared>> -> memref<128x128xf32, #tpu.memory_space<vmem_shared>>
    %dma_start3A_49 = arith.constant 0 : i32
    %dma_start3A_50 = tpu.memref_slice %arg11[%add3A_46, %dma_start3A_49] : memref<10240x128xf32, #tpu.memory_space<vmem_shared>> -> memref<128x128xf32, #tpu.memory_space<vmem_shared>>
    tpu.enqueue_dma source(%arg9 : memref<128x128xf32, #tpu.memory_space<vmem>>) target(%dma_start3A_50 : memref<128x128xf32, #tpu.memory_space<vmem_shared>>) target_semaphore(%arg14 : memref<!tpu.dma_semaphore, #tpu.memory_space<semaphore_mem>>)
    %mul3A_51 = arith.constant 640 : i32
    %mul3A_52 = arith.muli %arg1, %mul3A_51 : i32
    %add3A_53 = arith.constant 512 : i32
    %add3A_54 = arith.addi %mul3A_52, %add3A_53 : i32
    %dma_start3A_55 = arith.constant 0 : i32
    %dma_start3A_56 = tpu.memref_slice %arg11[%add3A_54, %dma_start3A_55] : memref<10240x128xf32, #tpu.memory_space<vmem_shared>> -> memref<128x128xf32, #tpu.memory_space<vmem_shared>>
    %dma_start3A_57 = arith.constant 0 : i32
    %dma_start3A_58 = tpu.memref_slice %arg11[%add3A_54, %dma_start3A_57] : memref<10240x128xf32, #tpu.memory_space<vmem_shared>> -> memref<128x128xf32, #tpu.memory_space<vmem_shared>>
    tpu.enqueue_dma source(%arg9 : memref<128x128xf32, #tpu.memory_space<vmem>>) target(%dma_start3A_58 : memref<128x128xf32, #tpu.memory_space<vmem_shared>>) target_semaphore(%arg14 : memref<!tpu.dma_semaphore, #tpu.memory_space<semaphore_mem>>)
    %mul3A_59 = arith.constant 640 : i32
    %mul3A_60 = arith.muli %arg1, %mul3A_59 : i32
    %add3A_61 = arith.constant 0 : i32
    %add3A_62 = arith.addi %mul3A_60, %add3A_61 : i32
    %dma_wait3A = arith.constant 0 : i32
    %dma_wait3A_63 = tpu.memref_slice %arg11[%add3A_62, %dma_wait3A] : memref<10240x128xf32, #tpu.memory_space<vmem_shared>> -> memref<128x128xf32, #tpu.memory_space<vmem_shared>>
    %dma_wait3A_64 = arith.constant 0 : i32
    %dma_wait3A_65 = tpu.memref_slice %arg11[%add3A_62, %dma_wait3A_64] : memref<10240x128xf32, #tpu.memory_space<vmem_shared>> -> memref<128x128xf32, #tpu.memory_space<vmem_shared>>
    tpu.wait_dma2 semaphore(%arg14 : memref<!tpu.dma_semaphore, #tpu.memory_space<semaphore_mem>>) src(%arg9 : memref<128x128xf32, #tpu.memory_space<vmem>>) dst(%dma_wait3A_65 : memref<128x128xf32, #tpu.memory_space<vmem_shared>>)
    %mul3A_66 = arith.constant 640 : i32
    %mul3A_67 = arith.muli %arg1, %mul3A_66 : i32
    %add3A_68 = arith.constant 128 : i32
    %add3A_69 = arith.addi %mul3A_67, %add3A_68 : i32
    %dma_wait3A_70 = arith.constant 0 : i32
    %dma_wait3A_71 = tpu.memref_slice %arg11[%add3A_69, %dma_wait3A_70] : memref<10240x128xf32, #tpu.memory_space<vmem_shared>> -> memref<128x128xf32, #tpu.memory_space<vmem_shared>>
    %dma_wait3A_72 = arith.constant 0 : i32
    %dma_wait3A_73 = tpu.memref_slice %arg11[%add3A_69, %dma_wait3A_72] : memref<10240x128xf32, #tpu.memory_space<vmem_shared>> -> memref<128x128xf32, #tpu.memory_space<vmem_shared>>
    tpu.wait_dma2 semaphore(%arg14 : memref<!tpu.dma_semaphore, #tpu.memory_space<semaphore_mem>>) src(%arg9 : memref<128x128xf32, #tpu.memory_space<vmem>>) dst(%dma_wait3A_73 : memref<128x128xf32, #tpu.memory_space<vmem_shared>>)
    %mul3A_74 = arith.constant 640 : i32
    %mul3A_75 = arith.muli %arg1, %mul3A_74 : i32
    %add3A_76 = arith.constant 256 : i32
    %add3A_77 = arith.addi %mul3A_75, %add3A_76 : i32
    %dma_wait3A_78 = arith.constant 0 : i32
    %dma_wait3A_79 = tpu.memref_slice %arg11[%add3A_77, %dma_wait3A_78] : memref<10240x128xf32, #tpu.memory_space<vmem_shared>> -> memref<128x128xf32, #tpu.memory_space<vmem_shared>>
    %dma_wait3A_80 = arith.constant 0 : i32
    %dma_wait3A_81 = tpu.memref_slice %arg11[%add3A_77, %dma_wait3A_80] : memref<10240x128xf32, #tpu.memory_space<vmem_shared>> -> memref<128x128xf32, #tpu.memory_space<vmem_shared>>
    tpu.wait_dma2 semaphore(%arg14 : memref<!tpu.dma_semaphore, #tpu.memory_space<semaphore_mem>>) src(%arg9 : memref<128x128xf32, #tpu.memory_space<vmem>>) dst(%dma_wait3A_81 : memref<128x128xf32, #tpu.memory_space<vmem_shared>>)
    %mul3A_82 = arith.constant 640 : i32
    %mul3A_83 = arith.muli %arg1, %mul3A_82 : i32
    %add3A_84 = arith.constant 384 : i32
    %add3A_85 = arith.addi %mul3A_83, %add3A_84 : i32
    %dma_wait3A_86 = arith.constant 0 : i32
    %dma_wait3A_87 = tpu.memref_slice %arg11[%add3A_85, %dma_wait3A_86] : memref<10240x128xf32, #tpu.memory_space<vmem_shared>> -> memref<128x128xf32, #tpu.memory_space<vmem_shared>>
    %dma_wait3A_88 = arith.constant 0 : i32
    %dma_wait3A_89 = tpu.memref_slice %arg11[%add3A_85, %dma_wait3A_88] : memref<10240x128xf32, #tpu.memory_space<vmem_shared>> -> memref<128x128xf32, #tpu.memory_space<vmem_shared>>
    tpu.wait_dma2 semaphore(%arg14 : memref<!tpu.dma_semaphore, #tpu.memory_space<semaphore_mem>>) src(%arg9 : memref<128x128xf32, #tpu.memory_space<vmem>>) dst(%dma_wait3A_89 : memref<128x128xf32, #tpu.memory_space<vmem_shared>>)
    %mul3A_90 = arith.constant 640 : i32
    %mul3A_91 = arith.muli %arg1, %mul3A_90 : i32
    %add3A_92 = arith.constant 512 : i32
    %add3A_93 = arith.addi %mul3A_91, %add3A_92 : i32
    %dma_wait3A_94 = arith.constant 0 : i32
    %dma_wait3A_95 = tpu.memref_slice %arg11[%add3A_93, %dma_wait3A_94] : memref<10240x128xf32, #tpu.memory_space<vmem_shared>> -> memref<128x128xf32, #tpu.memory_space<vmem_shared>>
    %dma_wait3A_96 = arith.constant 0 : i32
    %dma_wait3A_97 = tpu.memref_slice %arg11[%add3A_93, %dma_wait3A_96] : memref<10240x128xf32, #tpu.memory_space<vmem_shared>> -> memref<128x128xf32, #tpu.memory_space<vmem_shared>>
    tpu.wait_dma2 semaphore(%arg14 : memref<!tpu.dma_semaphore, #tpu.memory_space<semaphore_mem>>) src(%arg9 : memref<128x128xf32, #tpu.memory_space<vmem>>) dst(%dma_wait3A_97 : memref<128x128xf32, #tpu.memory_space<vmem_shared>>)
    %dma_wait3A_98 = arith.constant 0 : i32
    %dma_wait3A_99 = arith.constant 0 : i32
    %dma_wait3A_100 = tpu.memref_slice %arg4[%arg1, %dma_wait3A_98, %dma_wait3A_99] : memref<16x80x128xi32, #tpu.memory_space<hbm>> -> memref<1x40x128xi32, #tpu.memory_space<hbm>>
    %dma_wait3A_101 = tpu.memref_squeeze %dma_wait3A_100 : memref<1x40x128xi32, #tpu.memory_space<hbm>> -> memref<40x128xi32, #tpu.memory_space<hbm>>
    %dma_wait3A_102 = arith.constant 0 : i32
    %dma_wait3A_103 = arith.constant 0 : i32
    %dma_wait3A_104 = tpu.memref_slice %arg4[%arg1, %dma_wait3A_102, %dma_wait3A_103] : memref<16x80x128xi32, #tpu.memory_space<hbm>> -> memref<1x40x128xi32, #tpu.memory_space<hbm>>
    %dma_wait3A_105 = tpu.memref_squeeze %dma_wait3A_104 : memref<1x40x128xi32, #tpu.memory_space<hbm>> -> memref<40x128xi32, #tpu.memory_space<hbm>>
    tpu.wait_dma2 semaphore(%arg12 : memref<!tpu.dma_semaphore, #tpu.memory_space<semaphore_mem>>) src(%dma_wait3A_105 : memref<40x128xi32, #tpu.memory_space<hbm>>) dst(%arg7 : memref<40x128xi32, #tpu.memory_space<vmem>>)
    %dma_wait3A_106 = arith.constant 0 : i32
    %dma_wait3A_107 = arith.constant 0 : i32
    %dma_wait3A_108 = tpu.memref_slice %arg5[%arg1, %dma_wait3A_106, %dma_wait3A_107] : memref<16x80x128xi32, #tpu.memory_space<hbm>> -> memref<1x40x128xi32, #tpu.memory_space<hbm>>
    %dma_wait3A_109 = tpu.memref_squeeze %dma_wait3A_108 : memref<1x40x128xi32, #tpu.memory_space<hbm>> -> memref<40x128xi32, #tpu.memory_space<hbm>>
    %dma_wait3A_110 = arith.constant 0 : i32
    %dma_wait3A_111 = arith.constant 0 : i32
    %dma_wait3A_112 = tpu.memref_slice %arg5[%arg1, %dma_wait3A_110, %dma_wait3A_111] : memref<16x80x128xi32, #tpu.memory_space<hbm>> -> memref<1x40x128xi32, #tpu.memory_space<hbm>>
    %dma_wait3A_113 = tpu.memref_squeeze %dma_wait3A_112 : memref<1x40x128xi32, #tpu.memory_space<hbm>> -> memref<40x128xi32, #tpu.memory_space<hbm>>
    tpu.wait_dma2 semaphore(%arg13 : memref<!tpu.dma_semaphore, #tpu.memory_space<semaphore_mem>>) src(%dma_wait3A_113 : memref<40x128xi32, #tpu.memory_space<hbm>>) dst(%arg8 : memref<40x128xi32, #tpu.memory_space<vmem>>)
    %barrier3A = arith.constant 0 : index
    tpu.barrier barrier_id(%barrier3A)
    %eq3A = arith.constant 0 : i32
    %eq3A_114 = arith.cmpi eq, %arg0, %eq3A : i32
    %convert_element_type3A = arith.extui %eq3A_114 : i1 to i32
    %cond3A = arith.constant 0 : i32
    %cond3A_115 = arith.cmpi ne, %convert_element_type3A, %cond3A : i32
    scf.if %cond3A_115 {
      %dma_start3A_168 = arith.constant 0 : i32
      %dma_start3A_169 = arith.constant 0 : i32
      %dma_start3A_170 = tpu.memref_slice %arg7[%dma_start3A_168, %dma_start3A_169] : memref<40x128xi32, #tpu.memory_space<vmem>> -> memref<1x128xi32, #tpu.memory_space<vmem>>
      %dma_start3A_171 = tpu.memref_squeeze %dma_start3A_170 : memref<1x128xi32, #tpu.memory_space<vmem>> -> memref<128xi32, #tpu.memory_space<vmem>>
      %dma_start3A_172 = arith.constant 0 : i32
      %dma_start3A_173 = arith.constant 0 : i32
      %dma_start3A_174 = tpu.memref_slice %arg2[%dma_start3A_172, %dma_start3A_173] : memref<10000x128xf32, #tpu.memory_space<hbm>> -> memref<10000x128xf32, #tpu.memory_space<hbm>>
      tpu.enqueue_indirect_dma source(%dma_start3A_174 : memref<10000x128xf32, #tpu.memory_space<hbm>>) target(%arg9 : memref<128x128xf32, #tpu.memory_space<vmem>>) offsets(%dma_start3A_171 : memref<128xi32, #tpu.memory_space<vmem>>) semaphore(%arg12 : memref<!tpu.dma_semaphore, #tpu.memory_space<semaphore_mem>>)
    } else {
    }
    %eq3A_116 = arith.constant 1 : i32
    %eq3A_117 = arith.cmpi eq, %arg0, %eq3A_116 : i32
    %convert_element_type3A_118 = arith.extui %eq3A_117 : i1 to i32
    %cond3A_119 = arith.constant 0 : i32
    %cond3A_120 = arith.cmpi ne, %convert_element_type3A_118, %cond3A_119 : i32
    scf.if %cond3A_120 {
      %dma_start3A_168 = arith.constant 0 : i32
      %dma_start3A_169 = arith.constant 0 : i32
      %dma_start3A_170 = tpu.memref_slice %arg7[%dma_start3A_168, %dma_start3A_169] : memref<40x128xi32, #tpu.memory_space<vmem>> -> memref<1x128xi32, #tpu.memory_space<vmem>>
      %dma_start3A_171 = tpu.memref_squeeze %dma_start3A_170 : memref<1x128xi32, #tpu.memory_space<vmem>> -> memref<128xi32, #tpu.memory_space<vmem>>
      %dma_start3A_172 = arith.constant 0 : i32
      %dma_start3A_173 = arith.constant 0 : i32
      %dma_start3A_174 = tpu.memref_slice %arg3[%dma_start3A_172, %dma_start3A_173] : memref<10000x128xf32, #tpu.memory_space<hbm>> -> memref<10000x128xf32, #tpu.memory_space<hbm>>
      tpu.enqueue_indirect_dma source(%dma_start3A_174 : memref<10000x128xf32, #tpu.memory_space<hbm>>) target(%arg9 : memref<128x128xf32, #tpu.memory_space<vmem>>) offsets(%dma_start3A_171 : memref<128xi32, #tpu.memory_space<vmem>>) semaphore(%arg12 : memref<!tpu.dma_semaphore, #tpu.memory_space<semaphore_mem>>)
    } else {
    }
    %eq3A_121 = arith.constant 0 : i32
    %eq3A_122 = arith.cmpi eq, %arg0, %eq3A_121 : i32
    %convert_element_type3A_123 = arith.extui %eq3A_122 : i1 to i32
    %cond3A_124 = arith.constant 0 : i32
    %cond3A_125 = arith.cmpi ne, %convert_element_type3A_123, %cond3A_124 : i32
    scf.if %cond3A_125 {
      %dma_start3A_168 = arith.constant 1 : i32
      %dma_start3A_169 = arith.constant 0 : i32
      %dma_start3A_170 = tpu.memref_slice %arg7[%dma_start3A_168, %dma_start3A_169] : memref<40x128xi32, #tpu.memory_space<vmem>> -> memref<1x128xi32, #tpu.memory_space<vmem>>
      %dma_start3A_171 = tpu.memref_squeeze %dma_start3A_170 : memref<1x128xi32, #tpu.memory_space<vmem>> -> memref<128xi32, #tpu.memory_space<vmem>>
      %dma_start3A_172 = arith.constant 0 : i32
      %dma_start3A_173 = arith.constant 0 : i32
      %dma_start3A_174 = tpu.memref_slice %arg2[%dma_start3A_172, %dma_start3A_173] : memref<10000x128xf32, #tpu.memory_space<hbm>> -> memref<10000x128xf32, #tpu.memory_space<hbm>>
      tpu.enqueue_indirect_dma source(%dma_start3A_174 : memref<10000x128xf32, #tpu.memory_space<hbm>>) target(%arg10 : memref<128x128xf32, #tpu.memory_space<vmem>>) offsets(%dma_start3A_171 : memref<128xi32, #tpu.memory_space<vmem>>) semaphore(%arg13 : memref<!tpu.dma_semaphore, #tpu.memory_space<semaphore_mem>>)
    } else {
    }
    %eq3A_126 = arith.constant 1 : i32
    %eq3A_127 = arith.cmpi eq, %arg0, %eq3A_126 : i32
    %convert_element_type3A_128 = arith.extui %eq3A_127 : i1 to i32
    %cond3A_129 = arith.constant 0 : i32
    %cond3A_130 = arith.cmpi ne, %convert_element_type3A_128, %cond3A_129 : i32
    scf.if %cond3A_130 {
      %dma_start3A_168 = arith.constant 1 : i32
      %dma_start3A_169 = arith.constant 0 : i32
      %dma_start3A_170 = tpu.memref_slice %arg7[%dma_start3A_168, %dma_start3A_169] : memref<40x128xi32, #tpu.memory_space<vmem>> -> memref<1x128xi32, #tpu.memory_space<vmem>>
      %dma_start3A_171 = tpu.memref_squeeze %dma_start3A_170 : memref<1x128xi32, #tpu.memory_space<vmem>> -> memref<128xi32, #tpu.memory_space<vmem>>
      %dma_start3A_172 = arith.constant 0 : i32
      %dma_start3A_173 = arith.constant 0 : i32
      %dma_start3A_174 = tpu.memref_slice %arg3[%dma_start3A_172, %dma_start3A_173] : memref<10000x128xf32, #tpu.memory_space<hbm>> -> memref<10000x128xf32, #tpu.memory_space<hbm>>
      tpu.enqueue_indirect_dma source(%dma_start3A_174 : memref<10000x128xf32, #tpu.memory_space<hbm>>) target(%arg10 : memref<128x128xf32, #tpu.memory_space<vmem>>) offsets(%dma_start3A_171 : memref<128xi32, #tpu.memory_space<vmem>>) semaphore(%arg13 : memref<!tpu.dma_semaphore, #tpu.memory_space<semaphore_mem>>)
    } else {
    }
    %scan3A_131 = arith.constant 0 : i32
    %scan3A_132 = arith.constant 0 : i32
    %scan3A_133 = arith.constant 20 : i32
    %scan3A_134 = arith.addi %scan3A_132, %scan3A_133 : i32
    %scan3A_135 = arith.constant 1 : i32
    scf.for %scan3A_168 = %scan3A_132 to %scan3A_134 step %scan3A_135  : i32 {
      %mul3A_169 = arith.constant 2 : i32
      %mul3A_170 = arith.muli %mul3A_169, %scan3A_168 : i32
      %add3A_171 = arith.constant 0 : i32
      %add3A_172 = arith.addi %mul3A_170, %add3A_171 : i32
      %eq3A_173 = arith.constant 0 : i32
      %eq3A_174 = arith.cmpi eq, %arg0, %eq3A_173 : i32
      %convert_element_type3A_175 = arith.extui %eq3A_174 : i1 to i32
      %cond3A_176 = arith.constant 0 : i32
      %cond3A_177 = arith.cmpi ne, %convert_element_type3A_175, %cond3A_176 : i32
      scf.if %cond3A_177 {
        %dma_wait3A_208 = arith.constant 0 : i32
        %dma_wait3A_209 = tpu.memref_slice %arg7[%add3A_172, %dma_wait3A_208] : memref<40x128xi32, #tpu.memory_space<vmem>> -> memref<1x128xi32, #tpu.memory_space<vmem>>
        %dma_wait3A_210 = tpu.memref_squeeze %dma_wait3A_209 : memref<1x128xi32, #tpu.memory_space<vmem>> -> memref<128xi32, #tpu.memory_space<vmem>>
        %dma_wait3A_211 = arith.constant 0 : i32
        %dma_wait3A_212 = arith.constant 0 : i32
        %dma_wait3A_213 = tpu.memref_slice %arg2[%dma_wait3A_211, %dma_wait3A_212] : memref<10000x128xf32, #tpu.memory_space<hbm>> -> memref<10000x128xf32, #tpu.memory_space<hbm>>
        tpu.wait_indirect_dma semaphore(%arg12 : memref<!tpu.dma_semaphore, #tpu.memory_space<semaphore_mem>>) src(%dma_wait3A_213 : memref<10000x128xf32, #tpu.memory_space<hbm>>) dst(%arg9 : memref<128x128xf32, #tpu.memory_space<vmem>>)
      } else {
      }
      %eq3A_178 = arith.constant 1 : i32
      %eq3A_179 = arith.cmpi eq, %arg0, %eq3A_178 : i32
      %convert_element_type3A_180 = arith.extui %eq3A_179 : i1 to i32
      %cond3A_181 = arith.constant 0 : i32
      %cond3A_182 = arith.cmpi ne, %convert_element_type3A_180, %cond3A_181 : i32
      scf.if %cond3A_182 {
        %dma_wait3A_208 = arith.constant 0 : i32
        %dma_wait3A_209 = tpu.memref_slice %arg7[%add3A_172, %dma_wait3A_208] : memref<40x128xi32, #tpu.memory_space<vmem>> -> memref<1x128xi32, #tpu.memory_space<vmem>>
        %dma_wait3A_210 = tpu.memref_squeeze %dma_wait3A_209 : memref<1x128xi32, #tpu.memory_space<vmem>> -> memref<128xi32, #tpu.memory_space<vmem>>
        %dma_wait3A_211 = arith.constant 0 : i32
        %dma_wait3A_212 = arith.constant 0 : i32
        %dma_wait3A_213 = tpu.memref_slice %arg3[%dma_wait3A_211, %dma_wait3A_212] : memref<10000x128xf32, #tpu.memory_space<hbm>> -> memref<10000x128xf32, #tpu.memory_space<hbm>>
        tpu.wait_indirect_dma semaphore(%arg12 : memref<!tpu.dma_semaphore, #tpu.memory_space<semaphore_mem>>) src(%dma_wait3A_213 : memref<10000x128xf32, #tpu.memory_space<hbm>>) dst(%arg9 : memref<128x128xf32, #tpu.memory_space<vmem>>)
      } else {
      }
      "tpu.region"() ({
        %run_scoped3A = tpu.sem_alloc : memref<!tpu.dma_semaphore, #tpu.memory_space<semaphore_mem>>
        %dma_start3A_208 = arith.constant 0 : i32
        %dma_start3A_209 = tpu.memref_slice %arg8[%add3A_172, %dma_start3A_208] : memref<40x128xi32, #tpu.memory_space<vmem>> -> memref<1x128xi32, #tpu.memory_space<vmem>>
        %dma_start3A_210 = tpu.memref_squeeze %dma_start3A_209 : memref<1x128xi32, #tpu.memory_space<vmem>> -> memref<128xi32, #tpu.memory_space<vmem>>
        %dma_start3A_211 = arith.constant 0 : i32
        %dma_start3A_212 = arith.constant 0 : i32
        %dma_start3A_213 = tpu.memref_slice %arg11[%dma_start3A_211, %dma_start3A_212] : memref<10240x128xf32, #tpu.memory_space<vmem_shared>> -> memref<10240x128xf32, #tpu.memory_space<vmem_shared>>
        tpu.enqueue_indirect_dma source(%arg9 : memref<128x128xf32, #tpu.memory_space<vmem>>) target(%dma_start3A_213 : memref<10240x128xf32, #tpu.memory_space<vmem_shared>>) offsets(%dma_start3A_210 : memref<128xi32, #tpu.memory_space<vmem>>) semaphore(%run_scoped3A : memref<!tpu.dma_semaphore, #tpu.memory_space<semaphore_mem>>) {add = true}
        %dma_wait3A_214 = arith.constant 0 : i32
        %dma_wait3A_215 = tpu.memref_slice %arg8[%add3A_172, %dma_wait3A_214] : memref<40x128xi32, #tpu.memory_space<vmem>> -> memref<1x128xi32, #tpu.memory_space<vmem>>
        %dma_wait3A_216 = tpu.memref_squeeze %dma_wait3A_215 : memref<1x128xi32, #tpu.memory_space<vmem>> -> memref<128xi32, #tpu.memory_space<vmem>>
        %dma_wait3A_217 = arith.constant 0 : i32
        %dma_wait3A_218 = arith.constant 0 : i32
        %dma_wait3A_219 = tpu.memref_slice %arg11[%dma_wait3A_217, %dma_wait3A_218] : memref<10240x128xf32, #tpu.memory_space<vmem_shared>> -> memref<10240x128xf32, #tpu.memory_space<vmem_shared>>
        tpu.wait_indirect_dma semaphore(%run_scoped3A : memref<!tpu.dma_semaphore, #tpu.memory_space<semaphore_mem>>) src(%arg9 : memref<128x128xf32, #tpu.memory_space<vmem>>) dst(%dma_wait3A_219 : memref<10240x128xf32, #tpu.memory_space<vmem_shared>>)
        tpu.yield
      }) : () -> ()
      %add3A_183 = arith.constant 2 : i32
      %add3A_184 = arith.addi %add3A_172, %add3A_183 : i32
      %lt3A = arith.constant 40 : i32
      %lt3A_185 = arith.cmpi slt, %add3A_184, %lt3A : i32
      %convert_element_type3A_186 = arith.extui %lt3A_185 : i1 to i32
      %cond3A_187 = arith.constant 0 : i32
      %cond3A_188 = arith.cmpi ne, %convert_element_type3A_186, %cond3A_187 : i32
      scf.if %cond3A_188 {
        %add3A_208 = arith.constant 2 : i32
        %add3A_209 = arith.addi %add3A_172, %add3A_208 : i32
        %eq3A_210 = arith.constant 0 : i32
        %eq3A_211 = arith.cmpi eq, %arg0, %eq3A_210 : i32
        %convert_element_type3A_212 = arith.extui %eq3A_211 : i1 to i32
        %cond3A_213 = arith.constant 0 : i32
        %cond3A_214 = arith.cmpi ne, %convert_element_type3A_212, %cond3A_213 : i32
        scf.if %cond3A_214 {
          %dma_start3A_220 = arith.constant 0 : i32
          %dma_start3A_221 = tpu.memref_slice %arg7[%add3A_209, %dma_start3A_220] : memref<40x128xi32, #tpu.memory_space<vmem>> -> memref<1x128xi32, #tpu.memory_space<vmem>>
          %dma_start3A_222 = tpu.memref_squeeze %dma_start3A_221 : memref<1x128xi32, #tpu.memory_space<vmem>> -> memref<128xi32, #tpu.memory_space<vmem>>
          %dma_start3A_223 = arith.constant 0 : i32
          %dma_start3A_224 = arith.constant 0 : i32
          %dma_start3A_225 = tpu.memref_slice %arg2[%dma_start3A_223, %dma_start3A_224] : memref<10000x128xf32, #tpu.memory_space<hbm>> -> memref<10000x128xf32, #tpu.memory_space<hbm>>
          tpu.enqueue_indirect_dma source(%dma_start3A_225 : memref<10000x128xf32, #tpu.memory_space<hbm>>) target(%arg9 : memref<128x128xf32, #tpu.memory_space<vmem>>) offsets(%dma_start3A_222 : memref<128xi32, #tpu.memory_space<vmem>>) semaphore(%arg12 : memref<!tpu.dma_semaphore, #tpu.memory_space<semaphore_mem>>)
        } else {
        }
        %eq3A_215 = arith.constant 1 : i32
        %eq3A_216 = arith.cmpi eq, %arg0, %eq3A_215 : i32
        %convert_element_type3A_217 = arith.extui %eq3A_216 : i1 to i32
        %cond3A_218 = arith.constant 0 : i32
        %cond3A_219 = arith.cmpi ne, %convert_element_type3A_217, %cond3A_218 : i32
        scf.if %cond3A_219 {
          %dma_start3A_220 = arith.constant 0 : i32
          %dma_start3A_221 = tpu.memref_slice %arg7[%add3A_209, %dma_start3A_220] : memref<40x128xi32, #tpu.memory_space<vmem>> -> memref<1x128xi32, #tpu.memory_space<vmem>>
          %dma_start3A_222 = tpu.memref_squeeze %dma_start3A_221 : memref<1x128xi32, #tpu.memory_space<vmem>> -> memref<128xi32, #tpu.memory_space<vmem>>
          %dma_start3A_223 = arith.constant 0 : i32
          %dma_start3A_224 = arith.constant 0 : i32
          %dma_start3A_225 = tpu.memref_slice %arg3[%dma_start3A_223, %dma_start3A_224] : memref<10000x128xf32, #tpu.memory_space<hbm>> -> memref<10000x128xf32, #tpu.memory_space<hbm>>
          tpu.enqueue_indirect_dma source(%dma_start3A_225 : memref<10000x128xf32, #tpu.memory_space<hbm>>) target(%arg9 : memref<128x128xf32, #tpu.memory_space<vmem>>) offsets(%dma_start3A_222 : memref<128xi32, #tpu.memory_space<vmem>>) semaphore(%arg12 : memref<!tpu.dma_semaphore, #tpu.memory_space<semaphore_mem>>)
        } else {
        }
      } else {
      }
      %add3A_189 = arith.constant 1 : i32
      %add3A_190 = arith.addi %mul3A_170, %add3A_189 : i32
      %eq3A_191 = arith.constant 0 : i32
      %eq3A_192 = arith.cmpi eq, %arg0, %eq3A_191 : i32
      %convert_element_type3A_193 = arith.extui %eq3A_192 : i1 to i32
      %cond3A_194 = arith.constant 0 : i32
      %cond3A_195 = arith.cmpi ne, %convert_element_type3A_193, %cond3A_194 : i32
      scf.if %cond3A_195 {
        %dma_wait3A_208 = arith.constant 0 : i32
        %dma_wait3A_209 = tpu.memref_slice %arg7[%add3A_190, %dma_wait3A_208] : memref<40x128xi32, #tpu.memory_space<vmem>> -> memref<1x128xi32, #tpu.memory_space<vmem>>
        %dma_wait3A_210 = tpu.memref_squeeze %dma_wait3A_209 : memref<1x128xi32, #tpu.memory_space<vmem>> -> memref<128xi32, #tpu.memory_space<vmem>>
        %dma_wait3A_211 = arith.constant 0 : i32
        %dma_wait3A_212 = arith.constant 0 : i32
        %dma_wait3A_213 = tpu.memref_slice %arg2[%dma_wait3A_211, %dma_wait3A_212] : memref<10000x128xf32, #tpu.memory_space<hbm>> -> memref<10000x128xf32, #tpu.memory_space<hbm>>
        tpu.wait_indirect_dma semaphore(%arg13 : memref<!tpu.dma_semaphore, #tpu.memory_space<semaphore_mem>>) src(%dma_wait3A_213 : memref<10000x128xf32, #tpu.memory_space<hbm>>) dst(%arg10 : memref<128x128xf32, #tpu.memory_space<vmem>>)
      } else {
      }
      %eq3A_196 = arith.constant 1 : i32
      %eq3A_197 = arith.cmpi eq, %arg0, %eq3A_196 : i32
      %convert_element_type3A_198 = arith.extui %eq3A_197 : i1 to i32
      %cond3A_199 = arith.constant 0 : i32
      %cond3A_200 = arith.cmpi ne, %convert_element_type3A_198, %cond3A_199 : i32
      scf.if %cond3A_200 {
        %dma_wait3A_208 = arith.constant 0 : i32
        %dma_wait3A_209 = tpu.memref_slice %arg7[%add3A_190, %dma_wait3A_208] : memref<40x128xi32, #tpu.memory_space<vmem>> -> memref<1x128xi32, #tpu.memory_space<vmem>>
        %dma_wait3A_210 = tpu.memref_squeeze %dma_wait3A_209 : memref<1x128xi32, #tpu.memory_space<vmem>> -> memref<128xi32, #tpu.memory_space<vmem>>
        %dma_wait3A_211 = arith.constant 0 : i32
        %dma_wait3A_212 = arith.constant 0 : i32
        %dma_wait3A_213 = tpu.memref_slice %arg3[%dma_wait3A_211, %dma_wait3A_212] : memref<10000x128xf32, #tpu.memory_space<hbm>> -> memref<10000x128xf32, #tpu.memory_space<hbm>>
        tpu.wait_indirect_dma semaphore(%arg13 : memref<!tpu.dma_semaphore, #tpu.memory_space<semaphore_mem>>) src(%dma_wait3A_213 : memref<10000x128xf32, #tpu.memory_space<hbm>>) dst(%arg10 : memref<128x128xf32, #tpu.memory_space<vmem>>)
      } else {
      }
      "tpu.region"() ({
        %run_scoped3A = tpu.sem_alloc : memref<!tpu.dma_semaphore, #tpu.memory_space<semaphore_mem>>
        %dma_start3A_208 = arith.constant 0 : i32
        %dma_start3A_209 = tpu.memref_slice %arg8[%add3A_190, %dma_start3A_208] : memref<40x128xi32, #tpu.memory_space<vmem>> -> memref<1x128xi32, #tpu.memory_space<vmem>>
        %dma_start3A_210 = tpu.memref_squeeze %dma_start3A_209 : memref<1x128xi32, #tpu.memory_space<vmem>> -> memref<128xi32, #tpu.memory_space<vmem>>
        %dma_start3A_211 = arith.constant 0 : i32
        %dma_start3A_212 = arith.constant 0 : i32
        %dma_start3A_213 = tpu.memref_slice %arg11[%dma_start3A_211, %dma_start3A_212] : memref<10240x128xf32, #tpu.memory_space<vmem_shared>> -> memref<10240x128xf32, #tpu.memory_space<vmem_shared>>
        tpu.enqueue_indirect_dma source(%arg10 : memref<128x128xf32, #tpu.memory_space<vmem>>) target(%dma_start3A_213 : memref<10240x128xf32, #tpu.memory_space<vmem_shared>>) offsets(%dma_start3A_210 : memref<128xi32, #tpu.memory_space<vmem>>) semaphore(%run_scoped3A : memref<!tpu.dma_semaphore, #tpu.memory_space<semaphore_mem>>) {add = true}
        %dma_wait3A_214 = arith.constant 0 : i32
        %dma_wait3A_215 = tpu.memref_slice %arg8[%add3A_190, %dma_wait3A_214] : memref<40x128xi32, #tpu.memory_space<vmem>> -> memref<1x128xi32, #tpu.memory_space<vmem>>
        %dma_wait3A_216 = tpu.memref_squeeze %dma_wait3A_215 : memref<1x128xi32, #tpu.memory_space<vmem>> -> memref<128xi32, #tpu.memory_space<vmem>>
        %dma_wait3A_217 = arith.constant 0 : i32
        %dma_wait3A_218 = arith.constant 0 : i32
        %dma_wait3A_219 = tpu.memref_slice %arg11[%dma_wait3A_217, %dma_wait3A_218] : memref<10240x128xf32, #tpu.memory_space<vmem_shared>> -> memref<10240x128xf32, #tpu.memory_space<vmem_shared>>
        tpu.wait_indirect_dma semaphore(%run_scoped3A : memref<!tpu.dma_semaphore, #tpu.memory_space<semaphore_mem>>) src(%arg10 : memref<128x128xf32, #tpu.memory_space<vmem>>) dst(%dma_wait3A_219 : memref<10240x128xf32, #tpu.memory_space<vmem_shared>>)
        tpu.yield
      }) : () -> ()
      %add3A_201 = arith.constant 2 : i32
      %add3A_202 = arith.addi %add3A_190, %add3A_201 : i32
      %lt3A_203 = arith.constant 40 : i32
      %lt3A_204 = arith.cmpi slt, %add3A_202, %lt3A_203 : i32
      %convert_element_type3A_205 = arith.extui %lt3A_204 : i1 to i32
      %cond3A_206 = arith.constant 0 : i32
      %cond3A_207 = arith.cmpi ne, %convert_element_type3A_205, %cond3A_206 : i32
      scf.if %cond3A_207 {
        %add3A_208 = arith.constant 2 : i32
        %add3A_209 = arith.addi %add3A_190, %add3A_208 : i32
        %eq3A_210 = arith.constant 0 : i32
        %eq3A_211 = arith.cmpi eq, %arg0, %eq3A_210 : i32
        %convert_element_type3A_212 = arith.extui %eq3A_211 : i1 to i32
        %cond3A_213 = arith.constant 0 : i32
        %cond3A_214 = arith.cmpi ne, %convert_element_type3A_212, %cond3A_213 : i32
        scf.if %cond3A_214 {
          %dma_start3A_220 = arith.constant 0 : i32
          %dma_start3A_221 = tpu.memref_slice %arg7[%add3A_209, %dma_start3A_220] : memref<40x128xi32, #tpu.memory_space<vmem>> -> memref<1x128xi32, #tpu.memory_space<vmem>>
          %dma_start3A_222 = tpu.memref_squeeze %dma_start3A_221 : memref<1x128xi32, #tpu.memory_space<vmem>> -> memref<128xi32, #tpu.memory_space<vmem>>
          %dma_start3A_223 = arith.constant 0 : i32
          %dma_start3A_224 = arith.constant 0 : i32
          %dma_start3A_225 = tpu.memref_slice %arg2[%dma_start3A_223, %dma_start3A_224] : memref<10000x128xf32, #tpu.memory_space<hbm>> -> memref<10000x128xf32, #tpu.memory_space<hbm>>
          tpu.enqueue_indirect_dma source(%dma_start3A_225 : memref<10000x128xf32, #tpu.memory_space<hbm>>) target(%arg10 : memref<128x128xf32, #tpu.memory_space<vmem>>) offsets(%dma_start3A_222 : memref<128xi32, #tpu.memory_space<vmem>>) semaphore(%arg13 : memref<!tpu.dma_semaphore, #tpu.memory_space<semaphore_mem>>)
        } else {
        }
        %eq3A_215 = arith.constant 1 : i32
        %eq3A_216 = arith.cmpi eq, %arg0, %eq3A_215 : i32
        %convert_element_type3A_217 = arith.extui %eq3A_216 : i1 to i32
        %cond3A_218 = arith.constant 0 : i32
        %cond3A_219 = arith.cmpi ne, %convert_element_type3A_217, %cond3A_218 : i32
        scf.if %cond3A_219 {
          %dma_start3A_220 = arith.constant 0 : i32
          %dma_start3A_221 = tpu.memref_slice %arg7[%add3A_209, %dma_start3A_220] : memref<40x128xi32, #tpu.memory_space<vmem>> -> memref<1x128xi32, #tpu.memory_space<vmem>>
          %dma_start3A_222 = tpu.memref_squeeze %dma_start3A_221 : memref<1x128xi32, #tpu.memory_space<vmem>> -> memref<128xi32, #tpu.memory_space<vmem>>
          %dma_start3A_223 = arith.constant 0 : i32
          %dma_start3A_224 = arith.constant 0 : i32
          %dma_start3A_225 = tpu.memref_slice %arg3[%dma_start3A_223, %dma_start3A_224] : memref<10000x128xf32, #tpu.memory_space<hbm>> -> memref<10000x128xf32, #tpu.memory_space<hbm>>
          tpu.enqueue_indirect_dma source(%dma_start3A_225 : memref<10000x128xf32, #tpu.memory_space<hbm>>) target(%arg10 : memref<128x128xf32, #tpu.memory_space<vmem>>) offsets(%dma_start3A_222 : memref<128xi32, #tpu.memory_space<vmem>>) semaphore(%arg13 : memref<!tpu.dma_semaphore, #tpu.memory_space<semaphore_mem>>)
        } else {
        }
      } else {
      }
    }
    %scan3A_136 = arith.constant 20 : i32
    "tpu.region"() ({
      %run_scoped3A = tpu.sem_alloc : memref<!tpu.dma_semaphore, #tpu.memory_space<semaphore_mem>>
      %dma_start3A_168 = arith.constant 40 : i32
      %dma_start3A_169 = arith.constant 0 : i32
      %dma_start3A_170 = tpu.memref_slice %arg4[%arg1, %dma_start3A_168, %dma_start3A_169] : memref<16x80x128xi32, #tpu.memory_space<hbm>> -> memref<1x40x128xi32, #tpu.memory_space<hbm>>
      %dma_start3A_171 = tpu.memref_squeeze %dma_start3A_170 : memref<1x40x128xi32, #tpu.memory_space<hbm>> -> memref<40x128xi32, #tpu.memory_space<hbm>>
      %dma_start3A_172 = arith.constant 40 : i32
      %dma_start3A_173 = arith.constant 0 : i32
      %dma_start3A_174 = tpu.memref_slice %arg4[%arg1, %dma_start3A_172, %dma_start3A_173] : memref<16x80x128xi32, #tpu.memory_space<hbm>> -> memref<1x40x128xi32, #tpu.memory_space<hbm>>
      %dma_start3A_175 = tpu.memref_squeeze %dma_start3A_174 : memref<1x40x128xi32, #tpu.memory_space<hbm>> -> memref<40x128xi32, #tpu.memory_space<hbm>>
      tpu.enqueue_dma source(%dma_start3A_175 : memref<40x128xi32, #tpu.memory_space<hbm>>) target(%arg7 : memref<40x128xi32, #tpu.memory_space<vmem>>) target_semaphore(%run_scoped3A : memref<!tpu.dma_semaphore, #tpu.memory_space<semaphore_mem>>)
      %dma_wait3A_176 = arith.constant 40 : i32
      %dma_wait3A_177 = arith.constant 0 : i32
      %dma_wait3A_178 = tpu.memref_slice %arg4[%arg1, %dma_wait3A_176, %dma_wait3A_177] : memref<16x80x128xi32, #tpu.memory_space<hbm>> -> memref<1x40x128xi32, #tpu.memory_space<hbm>>
      %dma_wait3A_179 = tpu.memref_squeeze %dma_wait3A_178 : memref<1x40x128xi32, #tpu.memory_space<hbm>> -> memref<40x128xi32, #tpu.memory_space<hbm>>
      %dma_wait3A_180 = arith.constant 40 : i32
      %dma_wait3A_181 = arith.constant 0 : i32
      %dma_wait3A_182 = tpu.memref_slice %arg4[%arg1, %dma_wait3A_180, %dma_wait3A_181] : memref<16x80x128xi32, #tpu.memory_space<hbm>> -> memref<1x40x128xi32, #tpu.memory_space<hbm>>
      %dma_wait3A_183 = tpu.memref_squeeze %dma_wait3A_182 : memref<1x40x128xi32, #tpu.memory_space<hbm>> -> memref<40x128xi32, #tpu.memory_space<hbm>>
      tpu.wait_dma2 semaphore(%run_scoped3A : memref<!tpu.dma_semaphore, #tpu.memory_space<semaphore_mem>>) src(%dma_wait3A_183 : memref<40x128xi32, #tpu.memory_space<hbm>>) dst(%arg7 : memref<40x128xi32, #tpu.memory_space<vmem>>)
      tpu.yield
    }) : () -> ()
    "tpu.region"() ({
      %run_scoped3A = tpu.sem_alloc : memref<!tpu.dma_semaphore, #tpu.memory_space<semaphore_mem>>
      %dma_start3A_168 = arith.constant 40 : i32
      %dma_start3A_169 = arith.constant 0 : i32
      %dma_start3A_170 = tpu.memref_slice %arg5[%arg1, %dma_start3A_168, %dma_start3A_169] : memref<16x80x128xi32, #tpu.memory_space<hbm>> -> memref<1x40x128xi32, #tpu.memory_space<hbm>>
      %dma_start3A_171 = tpu.memref_squeeze %dma_start3A_170 : memref<1x40x128xi32, #tpu.memory_space<hbm>> -> memref<40x128xi32, #tpu.memory_space<hbm>>
      %dma_start3A_172 = arith.constant 40 : i32
      %dma_start3A_173 = arith.constant 0 : i32
      %dma_start3A_174 = tpu.memref_slice %arg5[%arg1, %dma_start3A_172, %dma_start3A_173] : memref<16x80x128xi32, #tpu.memory_space<hbm>> -> memref<1x40x128xi32, #tpu.memory_space<hbm>>
      %dma_start3A_175 = tpu.memref_squeeze %dma_start3A_174 : memref<1x40x128xi32, #tpu.memory_space<hbm>> -> memref<40x128xi32, #tpu.memory_space<hbm>>
      tpu.enqueue_dma source(%dma_start3A_175 : memref<40x128xi32, #tpu.memory_space<hbm>>) target(%arg8 : memref<40x128xi32, #tpu.memory_space<vmem>>) target_semaphore(%run_scoped3A : memref<!tpu.dma_semaphore, #tpu.memory_space<semaphore_mem>>)
      %dma_wait3A_176 = arith.constant 40 : i32
      %dma_wait3A_177 = arith.constant 0 : i32
      %dma_wait3A_178 = tpu.memref_slice %arg5[%arg1, %dma_wait3A_176, %dma_wait3A_177] : memref<16x80x128xi32, #tpu.memory_space<hbm>> -> memref<1x40x128xi32, #tpu.memory_space<hbm>>
      %dma_wait3A_179 = tpu.memref_squeeze %dma_wait3A_178 : memref<1x40x128xi32, #tpu.memory_space<hbm>> -> memref<40x128xi32, #tpu.memory_space<hbm>>
      %dma_wait3A_180 = arith.constant 40 : i32
      %dma_wait3A_181 = arith.constant 0 : i32
      %dma_wait3A_182 = tpu.memref_slice %arg5[%arg1, %dma_wait3A_180, %dma_wait3A_181] : memref<16x80x128xi32, #tpu.memory_space<hbm>> -> memref<1x40x128xi32, #tpu.memory_space<hbm>>
      %dma_wait3A_183 = tpu.memref_squeeze %dma_wait3A_182 : memref<1x40x128xi32, #tpu.memory_space<hbm>> -> memref<40x128xi32, #tpu.memory_space<hbm>>
      tpu.wait_dma2 semaphore(%run_scoped3A : memref<!tpu.dma_semaphore, #tpu.memory_space<semaphore_mem>>) src(%dma_wait3A_183 : memref<40x128xi32, #tpu.memory_space<hbm>>) dst(%arg8 : memref<40x128xi32, #tpu.memory_space<vmem>>)
      tpu.yield
    }) : () -> ()
    %eq3A_137 = arith.constant 0 : i32
    %eq3A_138 = arith.cmpi eq, %arg0, %eq3A_137 : i32
    %convert_element_type3A_139 = arith.extui %eq3A_138 : i1 to i32
    %cond3A_140 = arith.constant 0 : i32
    %cond3A_141 = arith.cmpi ne, %convert_element_type3A_139, %cond3A_140 : i32
    scf.if %cond3A_141 {
      %dma_start3A_168 = arith.constant 0 : i32
      %dma_start3A_169 = arith.constant 0 : i32
      %dma_start3A_170 = tpu.memref_slice %arg7[%dma_start3A_168, %dma_start3A_169] : memref<40x128xi32, #tpu.memory_space<vmem>> -> memref<1x128xi32, #tpu.memory_space<vmem>>
      %dma_start3A_171 = tpu.memref_squeeze %dma_start3A_170 : memref<1x128xi32, #tpu.memory_space<vmem>> -> memref<128xi32, #tpu.memory_space<vmem>>
      %dma_start3A_172 = arith.constant 0 : i32
      %dma_start3A_173 = arith.constant 0 : i32
      %dma_start3A_174 = tpu.memref_slice %arg2[%dma_start3A_172, %dma_start3A_173] : memref<10000x128xf32, #tpu.memory_space<hbm>> -> memref<10000x128xf32, #tpu.memory_space<hbm>>
      tpu.enqueue_indirect_dma source(%dma_start3A_174 : memref<10000x128xf32, #tpu.memory_space<hbm>>) target(%arg9 : memref<128x128xf32, #tpu.memory_space<vmem>>) offsets(%dma_start3A_171 : memref<128xi32, #tpu.memory_space<vmem>>) semaphore(%arg12 : memref<!tpu.dma_semaphore, #tpu.memory_space<semaphore_mem>>)
    } else {
    }
    %eq3A_142 = arith.constant 1 : i32
    %eq3A_143 = arith.cmpi eq, %arg0, %eq3A_142 : i32
    %convert_element_type3A_144 = arith.extui %eq3A_143 : i1 to i32
    %cond3A_145 = arith.constant 0 : i32
    %cond3A_146 = arith.cmpi ne, %convert_element_type3A_144, %cond3A_145 : i32
    scf.if %cond3A_146 {
      %dma_start3A_168 = arith.constant 0 : i32
      %dma_start3A_169 = arith.constant 0 : i32
      %dma_start3A_170 = tpu.memref_slice %arg7[%dma_start3A_168, %dma_start3A_169] : memref<40x128xi32, #tpu.memory_space<vmem>> -> memref<1x128xi32, #tpu.memory_space<vmem>>
      %dma_start3A_171 = tpu.memref_squeeze %dma_start3A_170 : memref<1x128xi32, #tpu.memory_space<vmem>> -> memref<128xi32, #tpu.memory_space<vmem>>
      %dma_start3A_172 = arith.constant 0 : i32
      %dma_start3A_173 = arith.constant 0 : i32
      %dma_start3A_174 = tpu.memref_slice %arg3[%dma_start3A_172, %dma_start3A_173] : memref<10000x128xf32, #tpu.memory_space<hbm>> -> memref<10000x128xf32, #tpu.memory_space<hbm>>
      tpu.enqueue_indirect_dma source(%dma_start3A_174 : memref<10000x128xf32, #tpu.memory_space<hbm>>) target(%arg9 : memref<128x128xf32, #tpu.memory_space<vmem>>) offsets(%dma_start3A_171 : memref<128xi32, #tpu.memory_space<vmem>>) semaphore(%arg12 : memref<!tpu.dma_semaphore, #tpu.memory_space<semaphore_mem>>)
    } else {
    }
    %eq3A_147 = arith.constant 0 : i32
    %eq3A_148 = arith.cmpi eq, %arg0, %eq3A_147 : i32
    %convert_element_type3A_149 = arith.extui %eq3A_148 : i1 to i32
    %cond3A_150 = arith.constant 0 : i32
    %cond3A_151 = arith.cmpi ne, %convert_element_type3A_149, %cond3A_150 : i32
    scf.if %cond3A_151 {
      %dma_start3A_168 = arith.constant 1 : i32
      %dma_start3A_169 = arith.constant 0 : i32
      %dma_start3A_170 = tpu.memref_slice %arg7[%dma_start3A_168, %dma_start3A_169] : memref<40x128xi32, #tpu.memory_space<vmem>> -> memref<1x128xi32, #tpu.memory_space<vmem>>
      %dma_start3A_171 = tpu.memref_squeeze %dma_start3A_170 : memref<1x128xi32, #tpu.memory_space<vmem>> -> memref<128xi32, #tpu.memory_space<vmem>>
      %dma_start3A_172 = arith.constant 0 : i32
      %dma_start3A_173 = arith.constant 0 : i32
      %dma_start3A_174 = tpu.memref_slice %arg2[%dma_start3A_172, %dma_start3A_173] : memref<10000x128xf32, #tpu.memory_space<hbm>> -> memref<10000x128xf32, #tpu.memory_space<hbm>>
      tpu.enqueue_indirect_dma source(%dma_start3A_174 : memref<10000x128xf32, #tpu.memory_space<hbm>>) target(%arg10 : memref<128x128xf32, #tpu.memory_space<vmem>>) offsets(%dma_start3A_171 : memref<128xi32, #tpu.memory_space<vmem>>) semaphore(%arg13 : memref<!tpu.dma_semaphore, #tpu.memory_space<semaphore_mem>>)
    } else {
    }
    %eq3A_152 = arith.constant 1 : i32
    %eq3A_153 = arith.cmpi eq, %arg0, %eq3A_152 : i32
    %convert_element_type3A_154 = arith.extui %eq3A_153 : i1 to i32
    %cond3A_155 = arith.constant 0 : i32
    %cond3A_156 = arith.cmpi ne, %convert_element_type3A_154, %cond3A_155 : i32
    scf.if %cond3A_156 {
      %dma_start3A_168 = arith.constant 1 : i32
      %dma_start3A_169 = arith.constant 0 : i32
      %dma_start3A_170 = tpu.memref_slice %arg7[%dma_start3A_168, %dma_start3A_169] : memref<40x128xi32, #tpu.memory_space<vmem>> -> memref<1x128xi32, #tpu.memory_space<vmem>>
      %dma_start3A_171 = tpu.memref_squeeze %dma_start3A_170 : memref<1x128xi32, #tpu.memory_space<vmem>> -> memref<128xi32, #tpu.memory_space<vmem>>
      %dma_start3A_172 = arith.constant 0 : i32
      %dma_start3A_173 = arith.constant 0 : i32
      %dma_start3A_174 = tpu.memref_slice %arg3[%dma_start3A_172, %dma_start3A_173] : memref<10000x128xf32, #tpu.memory_space<hbm>> -> memref<10000x128xf32, #tpu.memory_space<hbm>>
      tpu.enqueue_indirect_dma source(%dma_start3A_174 : memref<10000x128xf32, #tpu.memory_space<hbm>>) target(%arg10 : memref<128x128xf32, #tpu.memory_space<vmem>>) offsets(%dma_start3A_171 : memref<128xi32, #tpu.memory_space<vmem>>) semaphore(%arg13 : memref<!tpu.dma_semaphore, #tpu.memory_space<semaphore_mem>>)
    } else {
    }
    %scan3A_157 = arith.constant 0 : i32
    %scan3A_158 = arith.constant 0 : i32
    %scan3A_159 = arith.constant 20 : i32
    %scan3A_160 = arith.addi %scan3A_158, %scan3A_159 : i32
    %scan3A_161 = arith.constant 1 : i32
    scf.for %scan3A_168 = %scan3A_158 to %scan3A_160 step %scan3A_161  : i32 {
      %mul3A_169 = arith.constant 2 : i32
      %mul3A_170 = arith.muli %mul3A_169, %scan3A_168 : i32
      %add3A_171 = arith.constant 0 : i32
      %add3A_172 = arith.addi %mul3A_170, %add3A_171 : i32
      %eq3A_173 = arith.constant 0 : i32
      %eq3A_174 = arith.cmpi eq, %arg0, %eq3A_173 : i32
      %convert_element_type3A_175 = arith.extui %eq3A_174 : i1 to i32
      %cond3A_176 = arith.constant 0 : i32
      %cond3A_177 = arith.cmpi ne, %convert_element_type3A_175, %cond3A_176 : i32
      scf.if %cond3A_177 {
        %dma_wait3A_208 = arith.constant 0 : i32
        %dma_wait3A_209 = tpu.memref_slice %arg7[%add3A_172, %dma_wait3A_208] : memref<40x128xi32, #tpu.memory_space<vmem>> -> memref<1x128xi32, #tpu.memory_space<vmem>>
        %dma_wait3A_210 = tpu.memref_squeeze %dma_wait3A_209 : memref<1x128xi32, #tpu.memory_space<vmem>> -> memref<128xi32, #tpu.memory_space<vmem>>
        %dma_wait3A_211 = arith.constant 0 : i32
        %dma_wait3A_212 = arith.constant 0 : i32
        %dma_wait3A_213 = tpu.memref_slice %arg2[%dma_wait3A_211, %dma_wait3A_212] : memref<10000x128xf32, #tpu.memory_space<hbm>> -> memref<10000x128xf32, #tpu.memory_space<hbm>>
        tpu.wait_indirect_dma semaphore(%arg12 : memref<!tpu.dma_semaphore, #tpu.memory_space<semaphore_mem>>) src(%dma_wait3A_213 : memref<10000x128xf32, #tpu.memory_space<hbm>>) dst(%arg9 : memref<128x128xf32, #tpu.memory_space<vmem>>)
      } else {
      }
      %eq3A_178 = arith.constant 1 : i32
      %eq3A_179 = arith.cmpi eq, %arg0, %eq3A_178 : i32
      %convert_element_type3A_180 = arith.extui %eq3A_179 : i1 to i32
      %cond3A_181 = arith.constant 0 : i32
      %cond3A_182 = arith.cmpi ne, %convert_element_type3A_180, %cond3A_181 : i32
      scf.if %cond3A_182 {
        %dma_wait3A_208 = arith.constant 0 : i32
        %dma_wait3A_209 = tpu.memref_slice %arg7[%add3A_172, %dma_wait3A_208] : memref<40x128xi32, #tpu.memory_space<vmem>> -> memref<1x128xi32, #tpu.memory_space<vmem>>
        %dma_wait3A_210 = tpu.memref_squeeze %dma_wait3A_209 : memref<1x128xi32, #tpu.memory_space<vmem>> -> memref<128xi32, #tpu.memory_space<vmem>>
        %dma_wait3A_211 = arith.constant 0 : i32
        %dma_wait3A_212 = arith.constant 0 : i32
        %dma_wait3A_213 = tpu.memref_slice %arg3[%dma_wait3A_211, %dma_wait3A_212] : memref<10000x128xf32, #tpu.memory_space<hbm>> -> memref<10000x128xf32, #tpu.memory_space<hbm>>
        tpu.wait_indirect_dma semaphore(%arg12 : memref<!tpu.dma_semaphore, #tpu.memory_space<semaphore_mem>>) src(%dma_wait3A_213 : memref<10000x128xf32, #tpu.memory_space<hbm>>) dst(%arg9 : memref<128x128xf32, #tpu.memory_space<vmem>>)
      } else {
      }
      "tpu.region"() ({
        %run_scoped3A = tpu.sem_alloc : memref<!tpu.dma_semaphore, #tpu.memory_space<semaphore_mem>>
        %dma_start3A_208 = arith.constant 0 : i32
        %dma_start3A_209 = tpu.memref_slice %arg8[%add3A_172, %dma_start3A_208] : memref<40x128xi32, #tpu.memory_space<vmem>> -> memref<1x128xi32, #tpu.memory_space<vmem>>
        %dma_start3A_210 = tpu.memref_squeeze %dma_start3A_209 : memref<1x128xi32, #tpu.memory_space<vmem>> -> memref<128xi32, #tpu.memory_space<vmem>>
        %dma_start3A_211 = arith.constant 0 : i32
        %dma_start3A_212 = arith.constant 0 : i32
        %dma_start3A_213 = tpu.memref_slice %arg11[%dma_start3A_211, %dma_start3A_212] : memref<10240x128xf32, #tpu.memory_space<vmem_shared>> -> memref<10240x128xf32, #tpu.memory_space<vmem_shared>>
        tpu.enqueue_indirect_dma source(%arg9 : memref<128x128xf32, #tpu.memory_space<vmem>>) target(%dma_start3A_213 : memref<10240x128xf32, #tpu.memory_space<vmem_shared>>) offsets(%dma_start3A_210 : memref<128xi32, #tpu.memory_space<vmem>>) semaphore(%run_scoped3A : memref<!tpu.dma_semaphore, #tpu.memory_space<semaphore_mem>>) {add = true}
        %dma_wait3A_214 = arith.constant 0 : i32
        %dma_wait3A_215 = tpu.memref_slice %arg8[%add3A_172, %dma_wait3A_214] : memref<40x128xi32, #tpu.memory_space<vmem>> -> memref<1x128xi32, #tpu.memory_space<vmem>>
        %dma_wait3A_216 = tpu.memref_squeeze %dma_wait3A_215 : memref<1x128xi32, #tpu.memory_space<vmem>> -> memref<128xi32, #tpu.memory_space<vmem>>
        %dma_wait3A_217 = arith.constant 0 : i32
        %dma_wait3A_218 = arith.constant 0 : i32
        %dma_wait3A_219 = tpu.memref_slice %arg11[%dma_wait3A_217, %dma_wait3A_218] : memref<10240x128xf32, #tpu.memory_space<vmem_shared>> -> memref<10240x128xf32, #tpu.memory_space<vmem_shared>>
        tpu.wait_indirect_dma semaphore(%run_scoped3A : memref<!tpu.dma_semaphore, #tpu.memory_space<semaphore_mem>>) src(%arg9 : memref<128x128xf32, #tpu.memory_space<vmem>>) dst(%dma_wait3A_219 : memref<10240x128xf32, #tpu.memory_space<vmem_shared>>)
        tpu.yield
      }) : () -> ()
      %add3A_183 = arith.constant 2 : i32
      %add3A_184 = arith.addi %add3A_172, %add3A_183 : i32
      %lt3A = arith.constant 40 : i32
      %lt3A_185 = arith.cmpi slt, %add3A_184, %lt3A : i32
      %convert_element_type3A_186 = arith.extui %lt3A_185 : i1 to i32
      %cond3A_187 = arith.constant 0 : i32
      %cond3A_188 = arith.cmpi ne, %convert_element_type3A_186, %cond3A_187 : i32
      scf.if %cond3A_188 {
        %add3A_208 = arith.constant 2 : i32
        %add3A_209 = arith.addi %add3A_172, %add3A_208 : i32
        %eq3A_210 = arith.constant 0 : i32
        %eq3A_211 = arith.cmpi eq, %arg0, %eq3A_210 : i32
        %convert_element_type3A_212 = arith.extui %eq3A_211 : i1 to i32
        %cond3A_213 = arith.constant 0 : i32
        %cond3A_214 = arith.cmpi ne, %convert_element_type3A_212, %cond3A_213 : i32
        scf.if %cond3A_214 {
          %dma_start3A_220 = arith.constant 0 : i32
          %dma_start3A_221 = tpu.memref_slice %arg7[%add3A_209, %dma_start3A_220] : memref<40x128xi32, #tpu.memory_space<vmem>> -> memref<1x128xi32, #tpu.memory_space<vmem>>
          %dma_start3A_222 = tpu.memref_squeeze %dma_start3A_221 : memref<1x128xi32, #tpu.memory_space<vmem>> -> memref<128xi32, #tpu.memory_space<vmem>>
          %dma_start3A_223 = arith.constant 0 : i32
          %dma_start3A_224 = arith.constant 0 : i32
          %dma_start3A_225 = tpu.memref_slice %arg2[%dma_start3A_223, %dma_start3A_224] : memref<10000x128xf32, #tpu.memory_space<hbm>> -> memref<10000x128xf32, #tpu.memory_space<hbm>>
          tpu.enqueue_indirect_dma source(%dma_start3A_225 : memref<10000x128xf32, #tpu.memory_space<hbm>>) target(%arg9 : memref<128x128xf32, #tpu.memory_space<vmem>>) offsets(%dma_start3A_222 : memref<128xi32, #tpu.memory_space<vmem>>) semaphore(%arg12 : memref<!tpu.dma_semaphore, #tpu.memory_space<semaphore_mem>>)
        } else {
        }
        %eq3A_215 = arith.constant 1 : i32
        %eq3A_216 = arith.cmpi eq, %arg0, %eq3A_215 : i32
        %convert_element_type3A_217 = arith.extui %eq3A_216 : i1 to i32
        %cond3A_218 = arith.constant 0 : i32
        %cond3A_219 = arith.cmpi ne, %convert_element_type3A_217, %cond3A_218 : i32
        scf.if %cond3A_219 {
          %dma_start3A_220 = arith.constant 0 : i32
          %dma_start3A_221 = tpu.memref_slice %arg7[%add3A_209, %dma_start3A_220] : memref<40x128xi32, #tpu.memory_space<vmem>> -> memref<1x128xi32, #tpu.memory_space<vmem>>
          %dma_start3A_222 = tpu.memref_squeeze %dma_start3A_221 : memref<1x128xi32, #tpu.memory_space<vmem>> -> memref<128xi32, #tpu.memory_space<vmem>>
          %dma_start3A_223 = arith.constant 0 : i32
          %dma_start3A_224 = arith.constant 0 : i32
          %dma_start3A_225 = tpu.memref_slice %arg3[%dma_start3A_223, %dma_start3A_224] : memref<10000x128xf32, #tpu.memory_space<hbm>> -> memref<10000x128xf32, #tpu.memory_space<hbm>>
          tpu.enqueue_indirect_dma source(%dma_start3A_225 : memref<10000x128xf32, #tpu.memory_space<hbm>>) target(%arg9 : memref<128x128xf32, #tpu.memory_space<vmem>>) offsets(%dma_start3A_222 : memref<128xi32, #tpu.memory_space<vmem>>) semaphore(%arg12 : memref<!tpu.dma_semaphore, #tpu.memory_space<semaphore_mem>>)
        } else {
        }
      } else {
      }
      %add3A_189 = arith.constant 1 : i32
      %add3A_190 = arith.addi %mul3A_170, %add3A_189 : i32
      %eq3A_191 = arith.constant 0 : i32
      %eq3A_192 = arith.cmpi eq, %arg0, %eq3A_191 : i32
      %convert_element_type3A_193 = arith.extui %eq3A_192 : i1 to i32
      %cond3A_194 = arith.constant 0 : i32
      %cond3A_195 = arith.cmpi ne, %convert_element_type3A_193, %cond3A_194 : i32
      scf.if %cond3A_195 {
        %dma_wait3A_208 = arith.constant 0 : i32
        %dma_wait3A_209 = tpu.memref_slice %arg7[%add3A_190, %dma_wait3A_208] : memref<40x128xi32, #tpu.memory_space<vmem>> -> memref<1x128xi32, #tpu.memory_space<vmem>>
        %dma_wait3A_210 = tpu.memref_squeeze %dma_wait3A_209 : memref<1x128xi32, #tpu.memory_space<vmem>> -> memref<128xi32, #tpu.memory_space<vmem>>
        %dma_wait3A_211 = arith.constant 0 : i32
        %dma_wait3A_212 = arith.constant 0 : i32
        %dma_wait3A_213 = tpu.memref_slice %arg2[%dma_wait3A_211, %dma_wait3A_212] : memref<10000x128xf32, #tpu.memory_space<hbm>> -> memref<10000x128xf32, #tpu.memory_space<hbm>>
        tpu.wait_indirect_dma semaphore(%arg13 : memref<!tpu.dma_semaphore, #tpu.memory_space<semaphore_mem>>) src(%dma_wait3A_213 : memref<10000x128xf32, #tpu.memory_space<hbm>>) dst(%arg10 : memref<128x128xf32, #tpu.memory_space<vmem>>)
      } else {
      }
      %eq3A_196 = arith.constant 1 : i32
      %eq3A_197 = arith.cmpi eq, %arg0, %eq3A_196 : i32
      %convert_element_type3A_198 = arith.extui %eq3A_197 : i1 to i32
      %cond3A_199 = arith.constant 0 : i32
      %cond3A_200 = arith.cmpi ne, %convert_element_type3A_198, %cond3A_199 : i32
      scf.if %cond3A_200 {
        %dma_wait3A_208 = arith.constant 0 : i32
        %dma_wait3A_209 = tpu.memref_slice %arg7[%add3A_190, %dma_wait3A_208] : memref<40x128xi32, #tpu.memory_space<vmem>> -> memref<1x128xi32, #tpu.memory_space<vmem>>
        %dma_wait3A_210 = tpu.memref_squeeze %dma_wait3A_209 : memref<1x128xi32, #tpu.memory_space<vmem>> -> memref<128xi32, #tpu.memory_space<vmem>>
        %dma_wait3A_211 = arith.constant 0 : i32
        %dma_wait3A_212 = arith.constant 0 : i32
        %dma_wait3A_213 = tpu.memref_slice %arg3[%dma_wait3A_211, %dma_wait3A_212] : memref<10000x128xf32, #tpu.memory_space<hbm>> -> memref<10000x128xf32, #tpu.memory_space<hbm>>
        tpu.wait_indirect_dma semaphore(%arg13 : memref<!tpu.dma_semaphore, #tpu.memory_space<semaphore_mem>>) src(%dma_wait3A_213 : memref<10000x128xf32, #tpu.memory_space<hbm>>) dst(%arg10 : memref<128x128xf32, #tpu.memory_space<vmem>>)
      } else {
      }
      "tpu.region"() ({
        %run_scoped3A = tpu.sem_alloc : memref<!tpu.dma_semaphore, #tpu.memory_space<semaphore_mem>>
        %dma_start3A_208 = arith.constant 0 : i32
        %dma_start3A_209 = tpu.memref_slice %arg8[%add3A_190, %dma_start3A_208] : memref<40x128xi32, #tpu.memory_space<vmem>> -> memref<1x128xi32, #tpu.memory_space<vmem>>
        %dma_start3A_210 = tpu.memref_squeeze %dma_start3A_209 : memref<1x128xi32, #tpu.memory_space<vmem>> -> memref<128xi32, #tpu.memory_space<vmem>>
        %dma_start3A_211 = arith.constant 0 : i32
        %dma_start3A_212 = arith.constant 0 : i32
        %dma_start3A_213 = tpu.memref_slice %arg11[%dma_start3A_211, %dma_start3A_212] : memref<10240x128xf32, #tpu.memory_space<vmem_shared>> -> memref<10240x128xf32, #tpu.memory_space<vmem_shared>>
        tpu.enqueue_indirect_dma source(%arg10 : memref<128x128xf32, #tpu.memory_space<vmem>>) target(%dma_start3A_213 : memref<10240x128xf32, #tpu.memory_space<vmem_shared>>) offsets(%dma_start3A_210 : memref<128xi32, #tpu.memory_space<vmem>>) semaphore(%run_scoped3A : memref<!tpu.dma_semaphore, #tpu.memory_space<semaphore_mem>>) {add = true}
        %dma_wait3A_214 = arith.constant 0 : i32
        %dma_wait3A_215 = tpu.memref_slice %arg8[%add3A_190, %dma_wait3A_214] : memref<40x128xi32, #tpu.memory_space<vmem>> -> memref<1x128xi32, #tpu.memory_space<vmem>>
        %dma_wait3A_216 = tpu.memref_squeeze %dma_wait3A_215 : memref<1x128xi32, #tpu.memory_space<vmem>> -> memref<128xi32, #tpu.memory_space<vmem>>
        %dma_wait3A_217 = arith.constant 0 : i32
        %dma_wait3A_218 = arith.constant 0 : i32
        %dma_wait3A_219 = tpu.memref_slice %arg11[%dma_wait3A_217, %dma_wait3A_218] : memref<10240x128xf32, #tpu.memory_space<vmem_shared>> -> memref<10240x128xf32, #tpu.memory_space<vmem_shared>>
        tpu.wait_indirect_dma semaphore(%run_scoped3A : memref<!tpu.dma_semaphore, #tpu.memory_space<semaphore_mem>>) src(%arg10 : memref<128x128xf32, #tpu.memory_space<vmem>>) dst(%dma_wait3A_219 : memref<10240x128xf32, #tpu.memory_space<vmem_shared>>)
        tpu.yield
      }) : () -> ()
      %add3A_201 = arith.constant 2 : i32
      %add3A_202 = arith.addi %add3A_190, %add3A_201 : i32
      %lt3A_203 = arith.constant 40 : i32
      %lt3A_204 = arith.cmpi slt, %add3A_202, %lt3A_203 : i32
      %convert_element_type3A_205 = arith.extui %lt3A_204 : i1 to i32
      %cond3A_206 = arith.constant 0 : i32
      %cond3A_207 = arith.cmpi ne, %convert_element_type3A_205, %cond3A_206 : i32
      scf.if %cond3A_207 {
        %add3A_208 = arith.constant 2 : i32
        %add3A_209 = arith.addi %add3A_190, %add3A_208 : i32
        %eq3A_210 = arith.constant 0 : i32
        %eq3A_211 = arith.cmpi eq, %arg0, %eq3A_210 : i32
        %convert_element_type3A_212 = arith.extui %eq3A_211 : i1 to i32
        %cond3A_213 = arith.constant 0 : i32
        %cond3A_214 = arith.cmpi ne, %convert_element_type3A_212, %cond3A_213 : i32
        scf.if %cond3A_214 {
          %dma_start3A_220 = arith.constant 0 : i32
          %dma_start3A_221 = tpu.memref_slice %arg7[%add3A_209, %dma_start3A_220] : memref<40x128xi32, #tpu.memory_space<vmem>> -> memref<1x128xi32, #tpu.memory_space<vmem>>
          %dma_start3A_222 = tpu.memref_squeeze %dma_start3A_221 : memref<1x128xi32, #tpu.memory_space<vmem>> -> memref<128xi32, #tpu.memory_space<vmem>>
          %dma_start3A_223 = arith.constant 0 : i32
          %dma_start3A_224 = arith.constant 0 : i32
          %dma_start3A_225 = tpu.memref_slice %arg2[%dma_start3A_223, %dma_start3A_224] : memref<10000x128xf32, #tpu.memory_space<hbm>> -> memref<10000x128xf32, #tpu.memory_space<hbm>>
          tpu.enqueue_indirect_dma source(%dma_start3A_225 : memref<10000x128xf32, #tpu.memory_space<hbm>>) target(%arg10 : memref<128x128xf32, #tpu.memory_space<vmem>>) offsets(%dma_start3A_222 : memref<128xi32, #tpu.memory_space<vmem>>) semaphore(%arg13 : memref<!tpu.dma_semaphore, #tpu.memory_space<semaphore_mem>>)
        } else {
        }
        %eq3A_215 = arith.constant 1 : i32
        %eq3A_216 = arith.cmpi eq, %arg0, %eq3A_215 : i32
        %convert_element_type3A_217 = arith.extui %eq3A_216 : i1 to i32
        %cond3A_218 = arith.constant 0 : i32
        %cond3A_219 = arith.cmpi ne, %convert_element_type3A_217, %cond3A_218 : i32
        scf.if %cond3A_219 {
          %dma_start3A_220 = arith.constant 0 : i32
          %dma_start3A_221 = tpu.memref_slice %arg7[%add3A_209, %dma_start3A_220] : memref<40x128xi32, #tpu.memory_space<vmem>> -> memref<1x128xi32, #tpu.memory_space<vmem>>
          %dma_start3A_222 = tpu.memref_squeeze %dma_start3A_221 : memref<1x128xi32, #tpu.memory_space<vmem>> -> memref<128xi32, #tpu.memory_space<vmem>>
          %dma_start3A_223 = arith.constant 0 : i32
          %dma_start3A_224 = arith.constant 0 : i32
          %dma_start3A_225 = tpu.memref_slice %arg3[%dma_start3A_223, %dma_start3A_224] : memref<10000x128xf32, #tpu.memory_space<hbm>> -> memref<10000x128xf32, #tpu.memory_space<hbm>>
          tpu.enqueue_indirect_dma source(%dma_start3A_225 : memref<10000x128xf32, #tpu.memory_space<hbm>>) target(%arg10 : memref<128x128xf32, #tpu.memory_space<vmem>>) offsets(%dma_start3A_222 : memref<128xi32, #tpu.memory_space<vmem>>) semaphore(%arg13 : memref<!tpu.dma_semaphore, #tpu.memory_space<semaphore_mem>>)
        } else {
        }
      } else {
      }
    }
    %scan3A_162 = arith.constant 20 : i32
    %barrier3A_163 = arith.constant 0 : index
    tpu.barrier barrier_id(%barrier3A_163)
    %mul3A_164 = arith.constant 640 : i32
    %mul3A_165 = arith.muli %arg1, %mul3A_164 : i32
    %mul3A_166 = arith.constant 640 : i32
    %mul3A_167 = arith.muli %arg1, %mul3A_166 : i32
    "tpu.region"() ({
      %run_scoped3A = tpu.sem_alloc : memref<!tpu.dma_semaphore, #tpu.memory_space<semaphore_mem>>
      %dma_start3A_168 = arith.constant 0 : i32
      %dma_start3A_169 = tpu.memref_slice %arg6[%arg0, %mul3A_167, %dma_start3A_168] : memref<2x10240x128xf32, #tpu.memory_space<hbm>> -> memref<1x640x128xf32, #tpu.memory_space<hbm>>
      %dma_start3A_170 = tpu.memref_squeeze %dma_start3A_169 : memref<1x640x128xf32, #tpu.memory_space<hbm>> -> memref<640x128xf32, #tpu.memory_space<hbm>>
      %dma_start3A_171 = arith.constant 0 : i32
      %dma_start3A_172 = tpu.memref_slice %arg11[%mul3A_165, %dma_start3A_171] : memref<10240x128xf32, #tpu.memory_space<vmem_shared>> -> memref<640x128xf32, #tpu.memory_space<vmem_shared>>
      tpu.enqueue_dma source(%dma_start3A_172 : memref<640x128xf32, #tpu.memory_space<vmem_shared>>) target(%dma_start3A_170 : memref<640x128xf32, #tpu.memory_space<hbm>>) target_semaphore(%run_scoped3A : memref<!tpu.dma_semaphore, #tpu.memory_space<semaphore_mem>>)
      %dma_wait3A_173 = arith.constant 0 : i32
      %dma_wait3A_174 = tpu.memref_slice %arg6[%arg0, %mul3A_167, %dma_wait3A_173] : memref<2x10240x128xf32, #tpu.memory_space<hbm>> -> memref<1x640x128xf32, #tpu.memory_space<hbm>>
      %dma_wait3A_175 = tpu.memref_squeeze %dma_wait3A_174 : memref<1x640x128xf32, #tpu.memory_space<hbm>> -> memref<640x128xf32, #tpu.memory_space<hbm>>
      %dma_wait3A_176 = arith.constant 0 : i32
      %dma_wait3A_177 = tpu.memref_slice %arg11[%mul3A_165, %dma_wait3A_176] : memref<10240x128xf32, #tpu.memory_space<vmem_shared>> -> memref<640x128xf32, #tpu.memory_space<vmem_shared>>
      tpu.wait_dma2 semaphore(%run_scoped3A : memref<!tpu.dma_semaphore, #tpu.memory_space<semaphore_mem>>) src(%dma_wait3A_177 : memref<640x128xf32, #tpu.memory_space<vmem_shared>>) dst(%dma_wait3A_175 : memref<640x128xf32, #tpu.memory_space<hbm>>)
      tpu.yield
    }) : () -> ()
    return
  }
}

module attributes {stable_mosaic.version = 14 : i64} {
  func.func @_mlp_body(%arg0: i32, %arg1: memref<1x1xf32, #tpu.memory_space<smem>>, %arg2: memref<400x256xf32, #tpu.memory_space<vmem>>, %arg3: memref<2x400x128xf32, #tpu.memory_space<vmem>>, %arg4: memref<256x256xf32, #tpu.memory_space<vmem>>, %arg5: memref<1x256xf32, #tpu.memory_space<vmem>>, %arg6: memref<256x256xf32, #tpu.memory_space<vmem>>, %arg7: memref<1x256xf32, #tpu.memory_space<vmem>>, %arg8: memref<400x256xf32, #tpu.memory_space<vmem>>) attributes {dimension_semantics = [#tpu.dimension_semantics<arbitrary>], iteration_bounds = array<i64: 25>, scalar_prefetch = 0 : i64, scratch_operands = 0 : i64, tpu.core_type = #tpu.core_type<tc>, window_params = [{transform_indices = @transform_0, window_bounds = array<i64: 1, 1>}, {transform_indices = @transform_1, window_bounds = array<i64: 400, 256>}, {transform_indices = @transform_2, window_bounds = array<i64: 2, 400, 128>}, {pipeline_mode = #tpu.pipeline_mode<synchronous>, transform_indices = @transform_3, window_bounds = array<i64: 256, 256>}, {pipeline_mode = #tpu.pipeline_mode<synchronous>, transform_indices = @transform_4, window_bounds = array<i64: 1, 256>}, {pipeline_mode = #tpu.pipeline_mode<synchronous>, transform_indices = @transform_5, window_bounds = array<i64: 256, 256>}, {pipeline_mode = #tpu.pipeline_mode<synchronous>, transform_indices = @transform_6, window_bounds = array<i64: 1, 256>}, {transform_indices = @transform_7, window_bounds = array<i64: 400, 256>}]} {
    %get3A = arith.constant 0 : index
    %get3A_0 = arith.constant 0 : index
    %get3A_1 = memref.load %arg1[%get3A, %get3A_0] : memref<1x1xf32, #tpu.memory_space<smem>>
    %get3A_2 = arith.constant 0 : index
    %get3A_3 = arith.constant 0 : index
    %get3A_4 = arith.constant 0 : index
    %get3A_5 = vector.load %arg3[%get3A_2, %get3A_3, %get3A_4] : memref<2x400x128xf32, #tpu.memory_space<vmem>>, vector<1x400x128xf32>
    %get3A_6 = vector.shape_cast %get3A_5 : vector<1x400x128xf32> to vector<400x128xf32>
    %get3A_7 = arith.constant 1 : index
    %get3A_8 = arith.constant 0 : index
    %get3A_9 = arith.constant 0 : index
    %get3A_10 = vector.load %arg3[%get3A_7, %get3A_8, %get3A_9] : memref<2x400x128xf32, #tpu.memory_space<vmem>>, vector<1x400x128xf32>
    %get3A_11 = vector.shape_cast %get3A_10 : vector<1x400x128xf32> to vector<400x128xf32>
    %concatenate3A = tpu.concatenate %get3A_6, %get3A_11 in 1 : vector<400x128xf32>, vector<400x128xf32> -> vector<400x256xf32>
    %add3A = arith.constant 1.000000e+00 : f32
    %add3A_12 = arith.addf %add3A, %get3A_1 : f32
    %get3A_13 = arith.constant 0 : index
    %get3A_14 = arith.constant 0 : index
    %get3A_15 = vector.load %arg2[%get3A_13, %get3A_14] : memref<400x256xf32, #tpu.memory_space<vmem>>, vector<400x256xf32>
    %mul3A = vector.broadcast %add3A_12 : f32 to vector<400x256xf32>
    %mul3A_16 = arith.mulf %mul3A, %get3A_15 : vector<400x256xf32>
    %add3A_17 = arith.addf %mul3A_16, %concatenate3A : vector<400x256xf32>
    %convert_element_type3A = arith.truncf %add3A_17 : vector<400x256xf32> to vector<400x256xbf16>
    %get3A_18 = arith.constant 0 : index
    %get3A_19 = arith.constant 0 : index
    %get3A_20 = vector.load %arg4[%get3A_18, %get3A_19] : memref<256x256xf32, #tpu.memory_space<vmem>>, vector<256x256xf32>
    %convert_element_type3A_21 = arith.truncf %get3A_20 : vector<256x256xf32> to vector<256x256xbf16>
    %dot_general3A = arith.constant dense<0.000000e+00> : vector<400x256xf32>
    %dot_general3A_22 = tpu.matmul %convert_element_type3A, %convert_element_type3A_21, %dot_general3A {dimension_numbers = #tpu.dot_dimension_numbers<[1], [0], [0], [1], [0, 0, 1, 1], [], []>, transpose_lhs_hint = false} : vector<400x256xbf16>, vector<256x256xbf16>, vector<400x256xf32> -> vector<400x256xf32>
    %get3A_23 = arith.constant 0 : index
    %get3A_24 = arith.constant 0 : index
    %get3A_25 = vector.load %arg5[%get3A_23, %get3A_24] : memref<1x256xf32, #tpu.memory_space<vmem>>, vector<1x256xf32>
    %add3A_26 = vector.broadcast %get3A_25 : vector<1x256xf32> to vector<400x256xf32>
    %add3A_27 = arith.addf %dot_general3A_22, %add3A_26 : vector<400x256xf32>
    %max3A = arith.constant 0.000000e+00 : f32
    %max3A_28 = vector.broadcast %max3A : f32 to vector<400x256xf32>
    %max3A_29 = arith.maximumf %add3A_27, %max3A_28 : vector<400x256xf32>
    %convert_element_type3A_30 = arith.truncf %max3A_29 : vector<400x256xf32> to vector<400x256xbf16>
    %get3A_31 = arith.constant 0 : index
    %get3A_32 = arith.constant 0 : index
    %get3A_33 = vector.load %arg6[%get3A_31, %get3A_32] : memref<256x256xf32, #tpu.memory_space<vmem>>, vector<256x256xf32>
    %convert_element_type3A_34 = arith.truncf %get3A_33 : vector<256x256xf32> to vector<256x256xbf16>
    %dot_general3A_35 = arith.constant dense<0.000000e+00> : vector<400x256xf32>
    %dot_general3A_36 = tpu.matmul %convert_element_type3A_30, %convert_element_type3A_34, %dot_general3A_35 {dimension_numbers = #tpu.dot_dimension_numbers<[1], [0], [0], [1], [0, 0, 1, 1], [], []>, transpose_lhs_hint = false} : vector<400x256xbf16>, vector<256x256xbf16>, vector<400x256xf32> -> vector<400x256xf32>
    %get3A_37 = arith.constant 0 : index
    %get3A_38 = arith.constant 0 : index
    %get3A_39 = vector.load %arg7[%get3A_37, %get3A_38] : memref<1x256xf32, #tpu.memory_space<vmem>>, vector<1x256xf32>
    %add3A_40 = vector.broadcast %get3A_39 : vector<1x256xf32> to vector<400x256xf32>
    %add3A_41 = arith.addf %dot_general3A_36, %add3A_40 : vector<400x256xf32>
    %swap3A = arith.constant 0 : index
    %swap3A_42 = arith.constant 0 : index
    %swap3A_43 = vector.load %arg8[%swap3A, %swap3A_42] : memref<400x256xf32, #tpu.memory_space<vmem>>, vector<400x256xf32>
    tpu.vector_store %arg8[%swap3A, %swap3A_42], %add3A_41 {strides = array<i32>} : memref<400x256xf32, #tpu.memory_space<vmem>>, vector<400x256xf32>,
    return
  }
  func.func @transform_0(%arg0: i32) -> (i32, i32) {
    %c0_i32 = arith.constant 0 : i32
    %c0_i32_0 = arith.constant 0 : i32
    %c0_i32_1 = arith.constant 0 : i32
    return %c0_i32, %c0_i32_0 : i32, i32
  }
  func.func @transform_1(%arg0: i32) -> (i32, i32) {
    %c0_i32 = arith.constant 0 : i32
    %c0_i32_0 = arith.constant 0 : i32
    return %arg0, %c0_i32 : i32, i32
  }
  func.func @transform_2(%arg0: i32) -> (i32, i32, i32) {
    %c0_i32 = arith.constant 0 : i32
    %c0_i32_0 = arith.constant 0 : i32
    %c0_i32_1 = arith.constant 0 : i32
    return %c0_i32, %arg0, %c0_i32_0 : i32, i32, i32
  }
  func.func @transform_3(%arg0: i32) -> (i32, i32) {
    %c0_i32 = arith.constant 0 : i32
    %c0_i32_0 = arith.constant 0 : i32
    %c0_i32_1 = arith.constant 0 : i32
    return %c0_i32, %c0_i32_0 : i32, i32
  }
  func.func @transform_4(%arg0: i32) -> (i32, i32) {
    %c0_i32 = arith.constant 0 : i32
    %c0_i32_0 = arith.constant 0 : i32
    %c0_i32_1 = arith.constant 0 : i32
    return %c0_i32, %c0_i32_0 : i32, i32
  }
  func.func @transform_5(%arg0: i32) -> (i32, i32) {
    %c0_i32 = arith.constant 0 : i32
    %c0_i32_0 = arith.constant 0 : i32
    %c0_i32_1 = arith.constant 0 : i32
    return %c0_i32, %c0_i32_0 : i32, i32
  }
  func.func @transform_6(%arg0: i32) -> (i32, i32) {
    %c0_i32 = arith.constant 0 : i32
    %c0_i32_0 = arith.constant 0 : i32
    %c0_i32_1 = arith.constant 0 : i32
    return %c0_i32, %c0_i32_0 : i32, i32
  }
  func.func @transform_7(%arg0: i32) -> (i32, i32) {
    %c0_i32 = arith.constant 0 : i32
    %c0_i32_0 = arith.constant 0 : i32
    return %arg0, %c0_i32 : i32, i32
  }
}

</mosaic_0001>

<sc_bundles>
// kernel: kernel.4.cloned.1.call-start
scs
__scs_entry_jumppad:
0x0: {  	(pc) =	sbr.rel $0x88, $3  }
0x1: {  	(tag) =	ssettag $0x0;
	lr =	simm.s32 $0x1  }
0x2: {  	[smem:$0x3F9A] =	sst lr;
	_ =	strace $0xD0000000  }
0x3: {  	_ = 	snop  }
0x4: {  	_ = 	snop  }
0x5: {  	_ = 	snop  }
0x6: {  	_ = 	snop  }
0x7: {  	_ = 	snop  }
__scs_overlays_trampoline_lowered:
0x8: {  	[smem:$0x3FA9] =	sst s0  }
0x9: {  	[smem:$0x3FAA] =	sst s1  }
0xa: {  	[smem:$0x3FAB] =	sst s2  }
0xb: {  	[smem:$0x3FAC] =	sst s3  }
0xc: {  	[smem:$0x3FAD] =	sst s4  }
0xd: {  	[smem:$0x3FAE] =	sst s5  }
0xe: {  	[smem:$0x3FAF] =	sst s6  }
0xf: {  	[smem:$0x3FB0] =	sst s7  }
0x10: {  	[smem:$0x3FB1] =	sst s8  }
0x11: {  	[smem:$0x3FB2] =	sst s9;
	s0 =	simm.s32 @!p0 $0x0  }
0x12: {  	s1 =	sld [smem:$0x3F98];
	s0 =	simm.s32 @p0 $0x1  }
0x13: {  	[smem:$0x3FB3] =	sst s0;
	s0 =	simm.s32 @!p1 $0x0  }
0x14: {  	s2 =	sld [smem:$0x3F97];
	s0 =	simm.s32 @p1 $0x1  }
0x15: {  	[smem:$0x3FB4] =	sst s0;
	s0 =	simm.s32 @!p2 $0x0  }
0x16: {  	s3 =	sld [smem:$0x3FDB];
	s0 =	simm.s32 @p2 $0x1  }
0x17: {  	s4 =	simm.s32 $0x1BF5;
	[smem:$0x3FB6] =	sst s0  }
0x18: {  	s0 =	sld [smem:$0x3F99];
	_ =	swait.ge [sflag:s4], $0x0  }
0x19: {  	s7 =	sld [smem:$0x3F9A]  }
0x1a: {  	s8 =	sadd.s32 $0xFFFFE003, lr  }
0x1b: {  	s9 =	sadd.s32 $0xFFFFFEF7, lr;
	s5 =	simm.s32 $0xFFFFFFFF;
	p2 =	slt.u32 s8, $0xFFFFF086  }
0x1c: {  	p1 =	slt.u32 s9, $0xF7A;
	s5 =	simm.s32 @!p2 $0x0  }
0x1d: {  	s5 =	simm.s32 @p1 $0x1;
	p0 =	seq.s32 s7, s2  }
0x1e: {  	s7 =	smul.u32 @!p0 $0xF7A, s2;
	p2 =	seq.s32 @!p0 s5, $0x0  }
0x1f: {  	s9 =	smul.u32 $0xF7A, s1;
	s8 =	simm.s32 @!p0 $0x1BF5;
	p2 =	por !p2, p0  }
0x20: {  	[sflag:s8] =	ssyncset.s32 @!p0 $0xFFFFF086;
	s6 =	sadd.s32 @!p0 s3, s7;
	s7 =	simm.s32 @!p0 $0x108  }
0x21: {  	s3 =	sadd.s32 s3, s9;
	s6 =	sadd.s32 @!p0 $0x88, s6;
	s7 =	simm.s32 @p2 $0x1082  }
0x22: {  	[simem:s7], [sflag:s8] =	dma.local @!p0 [hbm:s6], $0xF7A  }
0x23: {  	s9 =	sor.u32 $0xD0000000, s2;
	s6 =	simm.s32 $0x108;
	_ =	swait.ge @!p0 [sflag:s8], $0x0  }
0x24: {  	s3 =	sadd.s32 $0x88, s3;
	s6 =	simm.s32 @!p1 $0x1082;
	[sflag:s4] =	ssyncset.s32 $0xFFFFF086  }
0x25: {  	[simem:s6], [sflag:s4] =	dma.local [hbm:s3], $0xF7A  }
0x26: {  	[smem:$0x3F9A] =	sst s1;
	(tag) =	ssettag s2;
	_ =	strace s9  }
0x27: {  	s1 =	sld [smem:$0x3FAA]  }
0x28: {  	s2 =	sld [smem:$0x3FAB]  }
0x29: {  	s4 =	sld [smem:$0x3FAD]  }
0x2a: {  	p0 =	seq.s32 s5, $0x0;
	s5 =	sld [smem:$0x3FAE]  }
0x2b: {  	s6 =	sld [smem:$0x3FAF]  }
0x2c: {  	s7 =	sld [smem:$0x3FB0]  }
0x2d: {  	s3 =	simm.s32 $0x108;
	s8 =	sld [smem:$0x3FB1]  }
0x2e: {  	s3 =	simm.s32 @!p0 $0x1082;
	s9 =	sld [smem:$0x3FB2]  }
0x2f: {  	lr =	sadd.s32 s0, s3;
	s0 =	sld [smem:$0x3FA9]  }
0x30: {  	s3 =	sld [smem:$0x3FAC]  }
0x31: {  	[smem:$0x3FB5] =	sst s10  }
0x32: {  	s10 =	sld [smem:$0x3FB3];
	_ =	sdelay $0x3  }
0x33: {  	p0 =	seq.s32 s10, $0x1;
	s10 =	sld [smem:$0x3FB5];
	_ =	sdelay $0x3  }
0x34: {  	[smem:$0x3FB5] =	sst s10  }
0x35: {  	s10 =	sld [smem:$0x3FB4];
	_ =	sdelay $0x3  }
0x36: {  	p1 =	seq.s32 s10, $0x1;
	s10 =	sld [smem:$0x3FB5];
	_ =	sdelay $0x3  }
0x37: {  	[smem:$0x3FB5] =	sst s10  }
0x38: {  	s10 =	sld [smem:$0x3FB6]  }
0x39: {  	_ = 	snop;
	(pc) =	sbr.ind lr, $3  }
0x3a: {  	_ = 	snop  }
0x3b: {  	_ = 	snop  }
0x3c: {  	p2 =	seq.s32 s10, $0x1;
	s10 =	sld [smem:$0x3FB5]  }
0x3d: {  	_ =	shalt  }
0x3e: {  	_ =	shalt  }
0x3f: {  	_ =	shalt  }
0x40: {  	_ =	shalt  }
0x41: {  	_ =	shalt  }
0x42: {  	_ =	shalt  }
0x43: {  	_ =	shalt  }
0x44: {  	_ =	shalt  }
0x45: {  	_ =	shalt  }
0x46: {  	_ =	shalt  }
0x47: {  	_ =	shalt  }
0x48: {  	_ =	shalt  }
0x49: {  	_ =	shalt  }
0x4a: {  	_ =	shalt  }
0x4b: {  	_ =	shalt  }
0x4c: {  	_ =	shalt  }
0x4d: {  	_ =	shalt  }
0x4e: {  	_ =	shalt  }
0x4f: {  	_ =	shalt  }
0x50: {  	_ =	shalt  }
0x51: {  	_ =	shalt  }
0x52: {  	_ =	shalt  }
0x53: {  	_ =	shalt  }
0x54: {  	_ =	shalt  }
0x55: {  	_ =	shalt  }
0x56: {  	_ =	shalt  }
0x57: {  	_ =	shalt  }
0x58: {  	_ =	shalt  }
0x59: {  	_ =	shalt  }
0x5a: {  	_ =	shalt  }
0x5b: {  	_ =	shalt  }
0x5c: {  	_ =	shalt  }
0x5d: {  	_ =	shalt  }
0x5e: {  	_ =	shalt  }
0x5f: {  	_ =	shalt  }
0x60: {  	_ =	shalt  }
0x61: {  	_ =	shalt  }
0x62: {  	_ =	shalt  }
0x63: {  	_ =	shalt  }
0x64: {  	_ =	shalt  }
0x65: {  	_ =	shalt  }
0x66: {  	_ =	shalt  }
0x67: {  	_ =	shalt  }
0x68: {  	_ =	shalt  }
0x69: {  	_ =	shalt  }
0x6a: {  	_ =	shalt  }
0x6b: {  	_ =	shalt  }
0x6c: {  	_ =	shalt  }
0x6d: {  	_ =	shalt  }
0x6e: {  	_ =	shalt  }
0x6f: {  	_ =	shalt  }
0x70: {  	_ =	shalt  }
0x71: {  	_ =	shalt  }
0x72: {  	_ =	shalt  }
0x73: {  	_ =	shalt  }
0x74: {  	_ =	shalt  }
0x75: {  	_ =	shalt  }
0x76: {  	_ =	shalt  }
0x77: {  	_ =	shalt  }
0x78: {  	_ =	shalt  }
0x79: {  	_ =	shalt  }
0x7a: {  	_ =	shalt  }
0x7b: {  	_ =	shalt  }
0x7c: {  	_ =	shalt  }
0x7d: {  	_ =	shalt  }
0x7e: {  	_ =	shalt  }
0x7f: {  	_ =	shalt  }
0x80: {  	_ =	shalt  }
0x81: {  	_ =	shalt  }
0x82: {  	_ =	shalt  }
0x83: {  	_ =	shalt  }
0x84: {  	_ =	shalt  }
0x85: {  	_ =	shalt  }
0x86: {  	_ =	shalt  }
0x87: {  	_ =	shalt  }
.Lfunc_end0:
.L_simem_size_0:
called_computation_lowered:
.L_overlay_start_0:
0x88: {  	s2 =	sld [smem:$0x3FD9]  }
0x89: {  	s3 =	sld [smem:$0x3FFE];
	_ =	sdelay $0x1  }
0x8a: {  	s1 =	srdreg.scid  }
0x8b: {  	s0 =	sand.u32 $0x1, s1  }
0x8c: {  	s17 =	sshll.u32 s0, $0xA;
	s2 =	sadd.s32 s3, s2  }
0x8d: {  	s2 =	sadd.s32 s2, s17  }
0x8e: {  	[smem:$0x3FC1] =	sst s2  }
0x8f: {  	_ = 	snop  }
0x90: {  	s2 =	sld [smem:$0x3FD0];
	(tm) =	ssettm $0x1  }
0x91: {  	s18 =	sld [smem:$0x3FFB];
	_ =	sdelay $0x3  }
0x92: {  	_ =	strace s18  }
0x93: {  	s3 =	sld [smem:$0x3FFC];
	_ =	sdelay $0x3  }
0x94: {  	_ =	strace s3  }
0x95: {  	s3 =	sld [smem:$0x3FFD];
	_ =	sdelay $0x3  }
0x96: {  	_ =	strace s3  }
0x97: {  	_ =	strace $0x8FFFFFFF  }
0x98: {  	s19 =	sld [smem:$0x3FDB];
	_ =	sdelay $0x1  }
0x99: {  	s4 =	simm.s32 $_scs_section_size  }
0x9a: {  	s5 =	simm.s32 $_size__tile_overlayer_lowered;
	s6 =	simm.s32 $_tile_overlayer_lowered  }
0x9b: {  	s22 =	simm.s32 $0x1BFF;
	s21 =	sshll.u32 s6, $0x1;
	s3 =	sadd.s32 s4, s19  }
0x9c: {  	s7 =	simm.s32 $0x0;
	s20 =	sshll.u32 s5, $0x1;
	s5 =	sadd.s32 s21, s3  }
0x9d: {  	[timem:s7], [sflag:s22] =	dma.local [hbm:s5], s20  }
0x9e: {  	_ =	swait.ge [sflag:s22], s20  }
0x9f: {  	s4 =	ssub.s32 $0x0, s20;
	[sflag:s22] =	ssyncset.done $0x0  }
0xa0: {  	[sflag:s22] =	ssyncadd.s32 s4;
	_ =	sdelay $0x1  }
0xa1: {  	s23 =	simm.s32 $0x1B8B  }
0xa2: {  	_ =	swait.ge [sflag:s23], $0x1  }
0xa3: {  	[sflag:s23] =	ssyncset.done $0x0  }
0xa4: {  	s25 =	simm.s32 $0x1B8E;
	s24 =	sld [smem:$0x3FFE];
	[sflag:s23] =	ssyncadd.s32 $0xFFFFFFFF  }
0xa5: {  	s26 =	simm.s32 $execute0_lowered;
	[smem:$0x3FD2] =	sst s25  }
0xa6: {  	s5 =	sshll.u32 s26, $0x1;
	_ =	strace $0x80000046;
	[dreg:$0x1] =	wrdreg $0xFFFFFFFF  }
0xa7: {  	s28 =	simm.s32 $_size_execute0_lowered;
	s3 =	sadd.s32 s3, s5;
	[dreg:$0x0] =	wrdreg $0x0  }
0xa8: {  	s5 =	sshll.u32 s28, $0x1;
	[dreg:$0x2] =	wrdreg s3  }
0xa9: {  	[dreg:$0x3] =	wrdreg s5  }
0xaa: {  	[dreg:$0x4] =	wrdreg $0xC0  }
0xab: {  	_ =	task [dreg:s7], $0x5FFFF  }
0xac: {  	[dreg:$0x1] =	wrdreg $0xFFFFFFFF  }
0xad: {  	[dreg:$0x0] =	wrdreg $0x60  }
0xae: {  	[dreg:$0x2] =	wrdreg s24  }
0xaf: {  	[dreg:$0x3] =	wrdreg s2  }
0xb0: {  	[dreg:$0x4] =	wrdreg $0xA8000  }
0xb1: {  	[dreg:$0x5] =	wrdreg $0x9  }
0xb2: {  	_ =	task.clear_ibuf [dreg:s7], $0x6FFFF;
	_ =	strace $0x90000046  }
0xb3: {  	s29 =	simm.s32 $0x9;
	_ =	strace $0x80000048  }
0xb4: {  	_ =	swait.ge [sflag:s29], $0x1  }
0xb5: {  	[sflag:s29] =	ssyncadd.s32 $0xFFFFFFFF  }
0xb6: {  	_ =	strace $0x90000048  }
0xb7: {  	_ =	sfence  }
0xb8: {  	s30 =	sld [smem:$0x0];
	_ =	sdelay $0x2  }
0xb9: {  	s31 =	sshll.u32 s1, $0xD;
	s1 =	sshrl.u32 s1, $0x2  }
0xba: {  	s3 =	sand.u32 $0x4000, s31;
	s1 =	sadd.s32 s1, s30  }
0xbb: {  	s0 =	sor.u32 s3, s0;
	s1 =	sshll.u32 s1, $0x11  }
0xbc: {  	s0 =	sor.u32 s1, s0  }
0xbd: {  	s0 =	sadd.s32 $0x8F2B, s0  }
0xbe: {  	[sflag:s0] =	ssyncadd.remote.s32 $0x1  }
0xbf: {  	_ =	sfence.sel $0xFFFF  }
0xc0: {  	[dreg:$0x0] =	wrdreg $0xFFFFFFFF;
	(pc) =	sbr.abs _section_cstart, $3  }
0xc1: {  	[dreg:$0x1] =	wrdreg $0xFFFFFFFF  }
0xc2: {  	_ =	task.clear_ibuf [dreg:s7], $0x2FFFF;
	_ =	strace $0x9FFFFFFF  }
0xc3: {  	(tm) =	ssettm $0x7FFFFFFF  }
tec
execute0_lowered:
.L_overlay_start_1:
0x0: {  	(tag) =	ssettag $0x1  }
0x1: {  	s5 =	rddreg [dreg:$0x0]  }
0x2: {  	s1 =	rddreg [dreg:$0x1]  }
0x3: {  	s2 =	rddreg [dreg:$0x2]  }
0x4: {  	s3 =	srdreg.scid;
	s0 =	rddreg [dreg:$0x3]  }
0x5: {  	s4 =	simm.s32 $0x0;
	s19 =	simm.s32 $0x1;
	s20 =	simm.s32 $0x2  }
0x6: {  	s21 =	simm.s32 $0x80;
	s22 =	simm.s32 $0x6800;
	s23 =	simm.s32 $0x4  }
0x7: {  	s24 =	simm.s32 $0x2700;
	s25 =	simm.s32 $0x2780;
	s26 =	simm.s32 $0x0  }
0x8: {  	s12 =	sand.u32 $0x1, s3;
	s3 =	stileid.u32;
	[smem:$0x7FF] =	sst s4  }
0x9: {  	s16 =	sadd.s32 $0x1600, s5;
	s13 =	sadd.s32 $0x28800, s5;
	s6 =	smul.u32 $0x140000, s12  }
0xa: {  	s14 =	sadd.s32 $0x2D800, s5;
	s7 =	smul.u32 $0x14000, s3;
	_ =	strace $0x80000047  }
0xb: {  	s29 =	smul.u32 $0x50000, s3;
	s8 =	ssub.s32 $0x2, s12;
	p0 =	seq.s32 s12, $0x0  }
0xc: {  	s9 =	smul.u32 $0x2800, s3;
	s30 =	sshrl.u32 s8, $0x1;
	s1 =	smov.u32 @p0 s16  }
0xd: {  	s16 =	simm.s32 $0x1400;
	s6 =	sadd.s32 s7, s6;
	s31 =	sshrl.u32 s29, $0x2  }
0xe: {  	s17 =	ssub.s32 s8, s30;
	s11 =	sshrl.u32 s9, $0x3;
	s6 =	sshrl.u32 s6, $0x3  }
0xf: {  	s7 =	sadd.s32 s14, s11;
	s18 =	sadd.s32 $0x280, s11;
	s15 =	sadd.s32 s6, s5  }
0x10: {  	s5 =	sadd.s32 s31, s2;
	s6 =	sadd.s32 s13, s11;
	s12 =	sadd.s32 s13, s18  }
0x11: {  	s13 =	sadd.s32 s14, s18;
	s18 =	simm.s32 $0x3;
	s8 =	sadd.s32 $0x4000, s5  }
0x12: {  	s9 =	sadd.s32 $0x8000, s5;
	s10 =	sadd.s32 $0xC000, s5;
	s11 =	sadd.s32 $0x10000, s5  }
0x13: {  	v0 =	vimm.f32 $0.0e+00;
	s14 =	sadd.s32 $0x32800, s15;
	s15 =	smax.u32 s17, $0x1;
	s17 =	simm.s32 $0x2800  }
.LBB2_1:
0x14: {  	[tilespmem:s4], [sflag:$0x1] =	stream.linear.gather [hbm4b:s6+s4], $0x1400, $0x38;
	[tilespmem:$0x1E800] =	vst v63  }
0x15: {  	s28 =	sand.u32 $0xFE00, s4  }
0x16: {  	s29 =	sand.u32 $0x70, s4;
	s30 =	sshrl.u32 s28, $0x2  }
0x17: {  	[tilespmem:s16], [sflag:$0x2] =	stream.linear.gather [hbm4b:s7+s4], $0x1400, $0x38;
	[tilespmem:$0x1E800] =	vst v63  }
0x18: {  	s28 =	simm.s32 $0x40;
	s30 =	sor.u32 s29, s30;
	s29 =	simm.s32 $0x0  }
.LBB2_2:
0x19: {  	p0 =	sne.s32 s28, $0xFFC0  }
0x1a: {  	[tilespmem:s30+$0x2800] =	vst v0;
	s29 =	sadd.s32 $0x10, s29;
	s30 =	smov.u32 s28;
	s28 =	sadd.s32 $0x40, s28  }
.Ltmp0:
0x1b: {  	(pc) =	sbr.rel @p0 .LBB2_2-.Ltmp0, $4  }
0x1c: {  	_ = 	snop  }
0x1d: {  	s30 =	sand.u32 $0xFE00, s30  }
0x1e: {  	s31 =	sand.u32 $0x70, s29;
	s30 =	sshrl.u32 s30, $0x2  }
0x1f: {  	s30 =	sor.u32 s31, s30  }
0x20: {  	[tilespmem:s30+$0x2800] =	vst v0  }
0x21: {  	[spmem:s5] =	stream.linear.scatter [tilespmem:s17], [sflag:$0x3], $0x4000, $0x38;
	[tilespmem:$0x1E800] =	vst v63  }
0x22: {  	_ = 	snop  }
0x23: {  	[spmem:s8] =	stream.linear.scatter [tilespmem:s17], [sflag:$0x3], $0x4000, $0x38;
	[tilespmem:$0x1E800] =	vst v63  }
0x24: {  	_ = 	snop  }
0x25: {  	[spmem:s9] =	stream.linear.scatter [tilespmem:s17], [sflag:$0x3], $0x4000, $0x38;
	[tilespmem:$0x1E800] =	vst v63  }
0x26: {  	_ = 	snop  }
0x27: {  	[spmem:s10] =	stream.linear.scatter [tilespmem:s17], [sflag:$0x3], $0x4000, $0x38;
	[tilespmem:$0x1E800] =	vst v63  }
0x28: {  	_ = 	snop  }
0x29: {  	[spmem:s11] =	stream.linear.scatter [tilespmem:s17], [sflag:$0x3], $0x4000, $0x38;
	[tilespmem:$0x1E800] =	vst v63  }
0x2a: {  	_ =	swait.ge [sflag:s18], $0x4000  }
0x2b: {  	[sflag:s18] =	ssyncset.done $0x0  }
0x2c: {  	[sflag:s18] =	ssyncadd.s32 $0xFFFFC000  }
0x2d: {  	_ =	swait.ge [sflag:s18], $0x4000  }
0x2e: {  	[sflag:s18] =	ssyncset.done $0x0  }
0x2f: {  	[sflag:s18] =	ssyncadd.s32 $0xFFFFC000  }
0x30: {  	_ =	swait.ge [sflag:s18], $0x4000  }
0x31: {  	[sflag:s18] =	ssyncset.done $0x0  }
0x32: {  	[sflag:s18] =	ssyncadd.s32 $0xFFFFC000  }
0x33: {  	_ =	swait.ge [sflag:s18], $0x4000  }
0x34: {  	[sflag:s18] =	ssyncset.done $0x0  }
0x35: {  	[sflag:s18] =	ssyncadd.s32 $0xFFFFC000  }
0x36: {  	_ =	swait.ge [sflag:s18], $0x4000  }
0x37: {  	[sflag:s18] =	ssyncset.done $0x0  }
0x38: {  	[sflag:s18] =	ssyncadd.s32 $0xFFFFC000  }
0x39: {  	_ =	swait.ge [sflag:s19], $0x1400  }
0x3a: {  	[sflag:s19] =	ssyncset.done $0x0  }
0x3b: {  	[sflag:s19] =	ssyncadd.s32 $0xFFFFEC00  }
0x3c: {  	_ =	swait.ge [sflag:s20], $0x1400  }
0x3d: {  	[sflag:s20] =	ssyncset.done $0x0  }
0x3e: {  	[sflag:s20] =	ssyncadd.s32 $0xFFFFEC00  }
0x3f: {  	s28 =	simm.s32 $0x0;
	[bflag:$0x0] =	sbarrier.arrive $0xFFFF  }
0x40: {  	[tilespmem:s17], [sflag:$0x1] =	stream.indirect.gather [hbm4b:s1+s21], $0x80, s28, s21, $0xb8;
	[tilespmem:$0x1E800] =	vst v63  }
0x41: {  	_ = 	snop  }
0x42: {  	[tilespmem:s22], [sflag:$0x2] =	stream.indirect.gather [hbm4b:s1+s21], $0x80, s21, s21, $0xb8;
	[tilespmem:$0x1E800] =	vst v63  }
0x43: {  	_ =	swait.ge [sflag:s19], $0x4000  }
0x44: {  	[sflag:s19] =	ssyncset.done $0x0  }
0x45: {  	s28 =	simm.s32 $0x1400;
	[sflag:s19] =	ssyncadd.s32 $0xFFFFC000  }
0x46: {  	[spmem:s2] =	stream.indirect.scatter.add.f32 [tilespmem:s17], [sflag:$0x4], $0x80, s28, s21, $0xb8;
	[tilespmem:$0x1E800] =	vst v63  }
0x47: {  	_ =	swait.ge [sflag:s23], $0x4000  }
0x48: {  	[sflag:s23] =	ssyncset.done $0x0  }
0x49: {  	s28 =	simm.s32 $0x100;
	[sflag:s23] =	ssyncadd.s32 $0xFFFFC000  }
0x4a: {  	[tilespmem:s17], [sflag:$0x1] =	stream.indirect.gather [hbm4b:s1+s21], $0x80, s28, s21, $0xb8;
	[tilespmem:$0x1E800] =	vst v63  }
0x4b: {  	_ =	swait.ge [sflag:s20], $0x4000  }
0x4c: {  	[sflag:s20] =	ssyncset.done $0x0  }
0x4d: {  	s28 =	simm.s32 $0x1480;
	[sflag:s20] =	ssyncadd.s32 $0xFFFFC000  }
0x4e: {  	[spmem:s2] =	stream.indirect.scatter.add.f32 [tilespmem:s22], [sflag:$0x4], $0x80, s28, s21, $0xb8;
	[tilespmem:$0x1E800] =	vst v63  }
0x4f: {  	_ =	swait.ge [sflag:s23], $0x4000  }
0x50: {  	[sflag:s23] =	ssyncset.done $0x0  }
0x51: {  	s29 =	simm.s32 $0x180;
	s28 =	simm.s32 $0x400;
	[sflag:s23] =	ssyncadd.s32 $0xFFFFC000  }
.LBB2_4:
0x52: {  	[tilespmem:s22], [sflag:$0x2] =	stream.indirect.gather [hbm4b:s1+s21], $0x80, s29, s21, $0xb8;
	[tilespmem:$0x1E800] =	vst v63  }
0x53: {  	s29 =	smov.u32 s28  }
0x54: {  	p0 =	sne.s32 s28, $0x4800;
	s28 =	sadd.s32 $0x400, s28;
	_ =	swait.ge [sflag:s19], $0x4000  }
0x55: {  	s29 =	sshra.s32 s29, $0x2;
	[sflag:s19] =	ssyncset.done $0x0  }
0x56: {  	s30 =	sadd.s32 $0x1400, s29;
	[sflag:s19] =	ssyncadd.s32 $0xFFFFC000  }
0x57: {  	[spmem:s2] =	stream.indirect.scatter.add.f32 [tilespmem:s17], [sflag:$0x4], $0x80, s30, s21, $0xb8;
	[tilespmem:$0x1E800] =	vst v63  }
0x58: {  	_ =	swait.ge [sflag:s23], $0x4000  }
0x59: {  	[sflag:s23] =	ssyncset.done $0x0  }
0x5a: {  	s30 =	sadd.s32 $0x100, s29;
	[sflag:s23] =	ssyncadd.s32 $0xFFFFC000  }
0x5b: {  	[tilespmem:s17], [sflag:$0x1] =	stream.indirect.gather [hbm4b:s1+s21], $0x80, s30, s21, $0xb8;
	[tilespmem:$0x1E800] =	vst v63  }
0x5c: {  	_ =	swait.ge [sflag:s20], $0x4000  }
0x5d: {  	[sflag:s20] =	ssyncset.done $0x0  }
.Ltmp1:
0x5e: {  	s30 =	sadd.s32 $0x1480, s29;
	[sflag:s20] =	ssyncadd.s32 $0xFFFFC000;
	(pc) =	sbr.rel @p0 .LBB2_4-.Ltmp1, $4  }
0x5f: {  	[spmem:s2] =	stream.indirect.scatter.add.f32 [tilespmem:s22], [sflag:$0x4], $0x80, s30, s21, $0xb8;
	[tilespmem:$0x1E800] =	vst v63  }
0x60: {  	_ =	swait.ge [sflag:s23], $0x4000  }
0x61: {  	[sflag:s23] =	ssyncset.done $0x0  }
0x62: {  	s29 =	sadd.s32 $0x180, s29;
	[sflag:s23] =	ssyncadd.s32 $0xFFFFC000  }
0x63: {  	[tilespmem:s22], [sflag:$0x2] =	stream.indirect.gather [hbm4b:s1+s21], $0x80, s29, s21, $0xb8;
	[tilespmem:$0x1E800] =	vst v63  }
0x64: {  	_ =	swait.ge [sflag:s19], $0x4000  }
0x65: {  	[sflag:s19] =	ssyncset.done $0x0  }
0x66: {  	[sflag:s19] =	ssyncadd.s32 $0xFFFFC000  }
0x67: {  	[spmem:s2] =	stream.indirect.scatter.add.f32 [tilespmem:s17], [sflag:$0x4], $0x80, s24, s21, $0xb8;
	[tilespmem:$0x1E800] =	vst v63  }
0x68: {  	_ =	swait.ge [sflag:s23], $0x4000  }
0x69: {  	[sflag:s23] =	ssyncset.done $0x0  }
0x6a: {  	[sflag:s23] =	ssyncadd.s32 $0xFFFFC000  }
0x6b: {  	_ =	swait.ge [sflag:s20], $0x4000  }
0x6c: {  	[sflag:s20] =	ssyncset.done $0x0  }
0x6d: {  	[sflag:s20] =	ssyncadd.s32 $0xFFFFC000  }
0x6e: {  	[spmem:s2] =	stream.indirect.scatter.add.f32 [tilespmem:s22], [sflag:$0x4], $0x80, s25, s21, $0xb8;
	[tilespmem:$0x1E800] =	vst v63  }
0x6f: {  	_ =	swait.ge [sflag:s23], $0x4000  }
0x70: {  	[sflag:s23] =	ssyncset.done $0x0  }
0x71: {  	s28 =	simm.s32 $0x0;
	[sflag:s23] =	ssyncadd.s32 $0xFFFFC000  }
0x72: {  	[tilespmem:s28], [sflag:$0x4] =	stream.linear.gather [hbm4b:s12+s28], $0x1400, $0x38;
	[tilespmem:$0x1E800] =	vst v63  }
0x73: {  	_ =	swait.ge [sflag:s23], $0x1400  }
0x74: {  	[sflag:s23] =	ssyncset.done $0x0  }
0x75: {  	[sflag:s23] =	ssyncadd.s32 $0xFFFFEC00  }
0x76: {  	[tilespmem:s16], [sflag:$0x4] =	stream.linear.gather [hbm4b:s13+s28], $0x1400, $0x38;
	[tilespmem:$0x1E800] =	vst v63  }
0x77: {  	_ =	swait.ge [sflag:s23], $0x1400  }
0x78: {  	[sflag:s23] =	ssyncset.done $0x0  }
0x79: {  	[sflag:s23] =	ssyncadd.s32 $0xFFFFEC00  }
0x7a: {  	[tilespmem:s17], [sflag:$0x1] =	stream.indirect.gather [hbm4b:s1+s21], $0x80, s28, s21, $0xb8;
	[tilespmem:$0x1E800] =	vst v63  }
0x7b: {  	_ = 	snop  }
0x7c: {  	[tilespmem:s22], [sflag:$0x2] =	stream.indirect.gather [hbm4b:s1+s21], $0x80, s21, s21, $0xb8;
	[tilespmem:$0x1E800] =	vst v63  }
0x7d: {  	_ =	swait.ge [sflag:s19], $0x4000  }
0x7e: {  	[sflag:s19] =	ssyncset.done $0x0  }
0x7f: {  	s28 =	simm.s32 $0x1400;
	[sflag:s19] =	ssyncadd.s32 $0xFFFFC000  }
0x80: {  	[spmem:s2] =	stream.indirect.scatter.add.f32 [tilespmem:s17], [sflag:$0x4], $0x80, s28, s21, $0xb8;
	[tilespmem:$0x1E800] =	vst v63  }
0x81: {  	_ =	swait.ge [sflag:s23], $0x4000  }
0x82: {  	[sflag:s23] =	ssyncset.done $0x0  }
0x83: {  	s28 =	simm.s32 $0x100;
	[sflag:s23] =	ssyncadd.s32 $0xFFFFC000  }
0x84: {  	[tilespmem:s17], [sflag:$0x1] =	stream.indirect.gather [hbm4b:s1+s21], $0x80, s28, s21, $0xb8;
	[tilespmem:$0x1E800] =	vst v63  }
0x85: {  	_ =	swait.ge [sflag:s20], $0x4000  }
0x86: {  	[sflag:s20] =	ssyncset.done $0x0  }
0x87: {  	s28 =	simm.s32 $0x1480;
	[sflag:s20] =	ssyncadd.s32 $0xFFFFC000  }
0x88: {  	[spmem:s2] =	stream.indirect.scatter.add.f32 [tilespmem:s22], [sflag:$0x4], $0x80, s28, s21, $0xb8;
	[tilespmem:$0x1E800] =	vst v63  }
0x89: {  	_ =	swait.ge [sflag:s23], $0x4000  }
0x8a: {  	[sflag:s23] =	ssyncset.done $0x0  }
0x8b: {  	s29 =	simm.s32 $0x180;
	s28 =	simm.s32 $0x400;
	[sflag:s23] =	ssyncadd.s32 $0xFFFFC000  }
.LBB2_6:
0x8c: {  	[tilespmem:s22], [sflag:$0x2] =	stream.indirect.gather [hbm4b:s1+s21], $0x80, s29, s21, $0xb8;
	[tilespmem:$0x1E800] =	vst v63  }
0x8d: {  	s29 =	smov.u32 s28  }
0x8e: {  	p0 =	sne.s32 s28, $0x4800;
	s28 =	sadd.s32 $0x400, s28;
	_ =	swait.ge [sflag:s19], $0x4000  }
0x8f: {  	s29 =	sshra.s32 s29, $0x2;
	[sflag:s19] =	ssyncset.done $0x0  }
0x90: {  	s30 =	sadd.s32 $0x1400, s29;
	[sflag:s19] =	ssyncadd.s32 $0xFFFFC000  }
0x91: {  	[spmem:s2] =	stream.indirect.scatter.add.f32 [tilespmem:s17], [sflag:$0x4], $0x80, s30, s21, $0xb8;
	[tilespmem:$0x1E800] =	vst v63  }
0x92: {  	_ =	swait.ge [sflag:s23], $0x4000  }
0x93: {  	[sflag:s23] =	ssyncset.done $0x0  }
0x94: {  	s30 =	sadd.s32 $0x100, s29;
	[sflag:s23] =	ssyncadd.s32 $0xFFFFC000  }
0x95: {  	[tilespmem:s17], [sflag:$0x1] =	stream.indirect.gather [hbm4b:s1+s21], $0x80, s30, s21, $0xb8;
	[tilespmem:$0x1E800] =	vst v63  }
0x96: {  	_ =	swait.ge [sflag:s20], $0x4000  }
0x97: {  	[sflag:s20] =	ssyncset.done $0x0  }
.Ltmp2:
0x98: {  	s30 =	sadd.s32 $0x1480, s29;
	[sflag:s20] =	ssyncadd.s32 $0xFFFFC000;
	(pc) =	sbr.rel @p0 .LBB2_6-.Ltmp2, $4  }
0x99: {  	[spmem:s2] =	stream.indirect.scatter.add.f32 [tilespmem:s22], [sflag:$0x4], $0x80, s30, s21, $0xb8;
	[tilespmem:$0x1E800] =	vst v63  }
0x9a: {  	_ =	swait.ge [sflag:s23], $0x4000  }
0x9b: {  	[sflag:s23] =	ssyncset.done $0x0  }
0x9c: {  	s29 =	sadd.s32 $0x180, s29;
	[sflag:s23] =	ssyncadd.s32 $0xFFFFC000  }
0x9d: {  	[tilespmem:s22], [sflag:$0x2] =	stream.indirect.gather [hbm4b:s1+s21], $0x80, s29, s21, $0xb8;
	[tilespmem:$0x1E800] =	vst v63  }
0x9e: {  	_ =	swait.ge [sflag:s19], $0x4000  }
0x9f: {  	[sflag:s19] =	ssyncset.done $0x0  }
0xa0: {  	[sflag:s19] =	ssyncadd.s32 $0xFFFFC000  }
0xa1: {  	[spmem:s2] =	stream.indirect.scatter.add.f32 [tilespmem:s17], [sflag:$0x4], $0x80, s24, s21, $0xb8;
	[tilespmem:$0x1E800] =	vst v63  }
0xa2: {  	_ =	swait.ge [sflag:s23], $0x4000  }
0xa3: {  	[sflag:s23] =	ssyncset.done $0x0  }
0xa4: {  	[sflag:s23] =	ssyncadd.s32 $0xFFFFC000  }
0xa5: {  	_ =	swait.ge [sflag:s20], $0x4000  }
0xa6: {  	[sflag:s20] =	ssyncset.done $0x0  }
0xa7: {  	[sflag:s20] =	ssyncadd.s32 $0xFFFFC000  }
0xa8: {  	[spmem:s2] =	stream.indirect.scatter.add.f32 [tilespmem:s22], [sflag:$0x4], $0x80, s25, s21, $0xb8;
	[tilespmem:$0x1E800] =	vst v63  }
0xa9: {  	_ =	swait.ge [sflag:s23], $0x4000  }
0xaa: {  	s28 =	sshll.u32 s3, $0x6;
	s26 =	sadd.s32 $0x1, s26;
	[sflag:s23] =	ssyncset.done $0x0  }
0xab: {  	s31 =	sshrl.u32 s5, $0x3;
	p0 =	sne.s32 s26, s15;
	[sflag:s23] =	ssyncadd.s32 $0xFFFFC000  }
.Ltmp3:
0xac: {  	s28 =	sor.u32 $0x1C04, s28;
	[bflag:$0x0] =	sbarrier.arrive $0xFFFF;
	(pc) =	sbr.rel @p0 .LBB2_1-.Ltmp3, $4  }
0xad: {  	[hbm:s14], [sflag:s28] =	dma.local [spmem:s31], $0x2800  }
0xae: {  	_ =	swait.ge [sflag:s23], $0x2800  }
0xaf: {  	[sflag:s23] =	ssyncset.done $0x0  }
0xb0: {  	[sflag:s23] =	ssyncadd.s32 $0xFFFFD800  }
0xb1: {  	_ =	sfence.sel $0x180000  }
0xb2: {  	[bflag:$0x0] =	sbarrier.arrive $0xFFFF  }
0xb3: {  	p0 =	sne.s32 s3, $0x0;
	_ =	strace $0x90000047  }
0xb4: {  	s0 =	sadd.s32 @!p0 $0x100000, s0;
	[bflag:$0x2] =	sbarrier.arrive $0xFFFF  }
0xb5: {  	[sflag:s0] =	ssyncadd.tile.s32 @!p0 $0x1;
	_ =	shalt  }
.Lfunc_end2:
_tile_overlayer_lowered:
.L_overlay_start_2:
0xb6: {  	(tag) =	ssettag $0x2  }
0xb7: {  	s0 =	rddreg [dreg:$0x0];
	s2 =	stileid.u32  }
0xb8: {  	s1 =	rddreg [dreg:$0x1];
	p0 =	sne.s32 s2, $0x0  }
0xb9: {  	s3 =	rddreg [dreg:$0x2];
	[bflag:$0x3] =	sbarrier.arrive $0xFFFF;
	s2 =	simm.s32 @!p0 $0x1C04  }
0xba: {  	[timem:s3], [sflag:s2] =	dma.local @!p0 [hbm:s0], s1  }
0xbb: {  	s0 =	simm.s32 @!p0 $0x4  }
0xbc: {  	_ =	swait.ge @!p0 [sflag:s0], s1  }
0xbd: {  	s1 =	ssub.s32 @!p0 $0x0, s1;
	[sflag:s0] =	ssyncset.done @!p0 $0x0  }
0xbe: {  	[sflag:s0] =	ssyncadd.s32 @!p0 s1  }
0xbf: {  	[bflag:$0x3] =	sbarrier.arrive $0xFFFF  }
0xc0: {  	_ =	shalt  }

</sc_bundles>
